<compile_context>
chip_gen: v7x
topology: tpu7x:2x2x1
jax: 0.10.2.dev20260603
libtpu: 0.0.44.dev20260713+nightly
codegen_flags: <defaults>
</compile_context>

<pallas_src>
import functools

import jax
import jax.numpy as jnp
from jax.experimental import pallas as pl
from jax.experimental.pallas import tpu as pltpu
from jax.experimental.pallas import tpu_sc as plsc

E = 8
CAP = 512
LOOK_BACK = 5
LOOK_AHEAD = 5
PAD = 5
CHUNK = 1024


def _router_body(e_ref, x_ref, rwe_ref, rwx_ref,
                 dstw_ref, dstr_ref, gatek_ref):
    N = e_ref.shape[0]
    logits = (
        jax.lax.dot_general(e_ref[...], rwe_ref[...], (((1,), (0,)), ((), ())),
                            preferred_element_type=jnp.float32)
        + jax.lax.dot_general(x_ref[...], rwx_ref[...], (((1,), (0,)), ((), ())),
                              preferred_element_type=jnp.float32)
    )
    lmax = jnp.max(logits, axis=-1, keepdims=True)
    denom = jnp.sum(jnp.exp(logits - lmax), axis=-1, keepdims=True)
    gate = 1.0 / denom
    iota_e = jax.lax.broadcasted_iota(jnp.int32, (N, E), 1)
    is_max = logits == lmax
    idx = jnp.min(jnp.where(is_max, iota_e, E), axis=-1, keepdims=True)
    oh = (iota_e == idx).astype(jnp.float32)
    tri = (jax.lax.broadcasted_iota(jnp.int32, (CHUNK, CHUNK), 0)
           >= jax.lax.broadcasted_iota(jnp.int32, (CHUNK, CHUNK), 1)
           ).astype(jnp.float32)
    carry = jnp.zeros((1, E), jnp.float32)
    pos_parts = []
    for i in range(N // CHUNK):
        ohi = jax.lax.slice(oh, (i * CHUNK, 0), ((i + 1) * CHUNK, E))
        ci = jax.lax.dot_general(tri, ohi, (((1,), (0,)), ((), ())),
                                 preferred_element_type=jnp.float32) + carry
        carry = jax.lax.slice(ci, (CHUNK - 1, 0), (CHUNK, E))
        pos_parts.append(jnp.sum(ci * ohi, axis=-1, keepdims=True) - 1.0)
    pos = jnp.concatenate(pos_parts, axis=0).astype(jnp.int32)
    keep = pos < CAP
    tok = jax.lax.broadcasted_iota(jnp.int32, (N, 1), 0)
    flat = idx * CAP + pos
    nrow = N // 128
    dstw_ref[...] = jnp.where(keep, flat, E * CAP + tok).reshape(nrow, 128)
    dstr_ref[...] = jnp.where(keep, flat, 0).reshape(nrow, 128)
    gatek_ref[...] = jnp.where(keep, gate, 0.0)


def _router_indices(e2d, x2d, rwe, rwx):
    N = x2d.shape[0]
    return pl.pallas_call(
        _router_body,
        out_shape=(
            jax.ShapeDtypeStruct((N // 128, 128), jnp.int32),
            jax.ShapeDtypeStruct((N // 128, 128), jnp.int32),
            jax.ShapeDtypeStruct((N, 1), jnp.float32),
        ),
    )(e2d, x2d, rwe, rwx)


def _expert_body2(buf_ref, w1_ref, b1_ref, w2_ref, m_ref):
    h = jax.lax.dot_general(buf_ref[...], w1_ref[0], (((1,), (0,)), ((), ())),
                            preferred_element_type=jnp.float32)
    h = jnp.maximum(h + b1_ref[0], 0.0)
    m_ref[...] = jax.lax.dot_general(h, w2_ref[0], (((1,), (0,)), ((), ())),
                                     preferred_element_type=jnp.float32)


def _experts(buf_ext, w1, b1, w2):
    D_HID = w1.shape[-1]
    D = w2.shape[-1]
    return pl.pallas_call(
        _expert_body2,
        grid=(E,),
        in_specs=[
            pl.BlockSpec((CAP, D), lambda e: (e, 0)),
            pl.BlockSpec((1, D, D_HID), lambda e: (e, 0, 0)),
            pl.BlockSpec((1, 1, D_HID), lambda e: (e, 0, 0)),
            pl.BlockSpec((1, D_HID, D), lambda e: (e, 0, 0)),
        ],
        out_specs=pl.BlockSpec((CAP, D), lambda e: (e, 0)),
        out_shape=jax.ShapeDtypeStruct((E * CAP, D), jnp.float32),
    )(buf_ext, w1, b1.reshape(E, 1, D_HID), w2)


def _sc_dispatch(x2d, dstw):
    NTOK, D = x2d.shape
    info = plsc.get_sparse_core_info()
    nc, ns = info.num_cores, info.num_subcores
    per = NTOK // (nc * ns)
    mesh = plsc.VectorSubcoreMesh(core_axis_name="c", subcore_axis_name="s")

    @functools.partial(
        pl.kernel, mesh=mesh,
        out_type=jax.ShapeDtypeStruct((E * CAP + NTOK, D), jnp.float32),
        scratch_types=[
            pltpu.VMEM((per,), jnp.int32),
            pltpu.VMEM((per, D), jnp.float32),
            pltpu.SemaphoreType.DMA,
        ],
    )
    def k(x_hbm, dw_hbm, buf_hbm, idx_v, rows_v, sem):
        wid = jax.lax.axis_index("s") * nc + jax.lax.axis_index("c")
        base = wid * per
        pltpu.sync_copy(dw_hbm.at[pl.ds(base, per)], idx_v)
        pltpu.sync_copy(x_hbm.at[pl.ds(base, per)], rows_v)
        pltpu.async_copy(rows_v, buf_hbm.at[idx_v], sem).wait()

    return k(x2d, dstw)


def _sc_combine(m2d, dstr):
    NTOK = dstr.shape[0]
    D = m2d.shape[1]
    info = plsc.get_sparse_core_info()
    nc, ns = info.num_cores, info.num_subcores
    per = NTOK // (nc * ns)
    mesh = plsc.VectorSubcoreMesh(core_axis_name="c", subcore_axis_name="s")

    @functools.partial(
        pl.kernel, mesh=mesh,
        out_type=jax.ShapeDtypeStruct((NTOK, D), jnp.float32),
        scratch_types=[
            pltpu.VMEM((per,), jnp.int32),
            pltpu.VMEM((per, D), jnp.float32),
            pltpu.SemaphoreType.DMA,
        ],
    )
    def k(m_hbm, dr_hbm, y_hbm, idx_v, rows_v, sem):
        wid = jax.lax.axis_index("s") * nc + jax.lax.axis_index("c")
        base = wid * per
        pltpu.sync_copy(dr_hbm.at[pl.ds(base, per)], idx_v)
        pltpu.async_copy(m_hbm.at[idx_v], rows_v, sem).wait()
        pltpu.sync_copy(rows_v, y_hbm.at[pl.ds(base, per)])

    return k(m2d, dstr)


def _fsmn_body(y_ref, gk_ref, x_ref, sl_ref, lf_ref, cf_ref, rf_ref,
               out_ref):
    T = x_ref.shape[1]
    D = x_ref.shape[2]
    gk = gk_ref[0]
    p = jnp.where(gk > 0.0, y_ref[0] * gk, 0.0)
    z = jnp.zeros((PAD, D), jnp.float32)
    pz = jnp.concatenate([z, p, z], axis=0)
    acc = p * cf_ref[0]
    for i in range(1, LOOK_BACK + 1):
        s = PAD - i
        acc = acc + jax.lax.slice(pz, (s, 0), (s + T, D)) * lf_ref[i - 1]
    for j in range(1, LOOK_AHEAD + 1):
        s = PAD + j
        acc = acc + jax.lax.slice(pz, (s, 0), (s + T, D)) * rf_ref[j - 1]
    tcol = jax.lax.broadcasted_iota(jnp.int32, (T, 1), 0)
    mask = (tcol < sl_ref[0, 0, 0]).astype(jnp.float32)
    out_ref[0] = (acc + x_ref[0]) * mask


def _fsmn(y3, gk3, inputs, slf, lf, cf, rf):
    Bq, Tq, D = inputs.shape
    DC = D // 2
    TR = Tq // 128
    return pl.pallas_call(
        _fsmn_body,
        grid=(Bq, 2),
        in_specs=[
            pl.BlockSpec((1, Tq, DC), lambda b, d: (b, 0, d)),
            pl.BlockSpec((1, Tq, 1), lambda b, d: (b, 0, 0)),
            pl.BlockSpec((1, Tq, DC), lambda b, d: (b, 0, d)),
            pl.BlockSpec((1, 1, 1), lambda b, d: (b, 0, 0)),
            pl.BlockSpec((LOOK_BACK, DC), lambda b, d: (0, d)),
            pl.BlockSpec((1, DC), lambda b, d: (0, d)),
            pl.BlockSpec((LOOK_AHEAD, DC), lambda b, d: (0, d)),
        ],
        out_specs=pl.BlockSpec((1, Tq, DC), lambda b, d: (b, 0, d)),
        out_shape=jax.ShapeDtypeStruct((Bq, Tq, D), jnp.float32),
    )(y3, gk3, inputs, slf, lf, cf, rf)


def kernel(inputs, embed, seq_len, is_training, w1, b1, w2,
           left_factor, cur_factor, right_factor, router_w):
    Bq, Tq, Din = inputs.shape
    N = Bq * Tq
    D = w2.shape[-1]
    x2d = inputs.reshape(N, Din)
    e2d = embed.reshape(N, embed.shape[-1])
    rwe = router_w[:embed.shape[-1]]
    rwx = router_w[embed.shape[-1]:]

    dstw, dstr, gatek = _router_indices(e2d, x2d, rwe, rwx)
    dstw = dstw.reshape(N)
    dstr = dstr.reshape(N)

    buf_ext = _sc_dispatch(x2d, dstw)

    m = _experts(buf_ext, w1, b1, w2)

    y3 = _sc_combine(m, dstr).reshape(Bq, Tq, D)

    slf = seq_len.astype(jnp.int32).reshape(Bq, 1, 1)
    return _fsmn(y3, gatek.reshape(Bq, Tq, 1),
                 inputs, slf, left_factor, cur_factor, right_factor)

# --- scband reference (transcript-rebuilt; emitter-appended) ---
"""Pipeline reference for scband-c-fsmn-layer-72662256713826 (READ-ONLY COPY).

The authoritative reference and input builder live on the scoring server;
editing this copy changes nothing except your own understanding.
"""

import jax, jax.numpy as jnp
import numpy as np

B, T = 2, 2048
D_IN = 768
D_EMB = 768
D_HID = 2048
D_MEM = 768
E = 8
LOOK_BACK = 5
LOOK_AHEAD = 5
STRIDE_L = 1
STRIDE_R = 1
CAP = int(1.0 * B * T / E)  # capacity_factor * all_samples / all_experts
PAD = max(LOOK_BACK * STRIDE_L, LOOK_AHEAD * STRIDE_R)


def setup_inputs(seed: int = 0):
    key = jax.random.key(seed)
    ks = jax.random.split(key, 12)
    inputs = jax.random.normal(ks[0], (B, T, D_IN), dtype=jnp.float32)
    embed = jax.random.normal(ks[1], (B, T, D_EMB), dtype=jnp.float32)
    seq_len = jax.random.randint(ks[2], (B,), 1, T + 1)
    is_training = 0
    # Expert params (FMoELinear hid_proj with bias, mem_proj without bias)
    w1 = jax.random.normal(ks[3], (E, D_MEM, D_HID), dtype=jnp.float32) * 0.02
    b1 = jnp.zeros((E, D_HID), dtype=jnp.float32)
    w2 = jax.random.normal(ks[4], (E, D_HID, D_MEM), dtype=jnp.float32) * 0.02
    # FSMN FIR filter factors (xavier init gain 0.5)
    left_factor = jax.random.normal(ks[5], (LOOK_BACK, D_MEM), dtype=jnp.float32) * 0.05
    cur_factor = jax.random.normal(ks[6], (1, D_MEM), dtype=jnp.float32) * 0.05
    right_factor = jax.random.normal(ks[7], (LOOK_AHEAD, D_MEM), dtype=jnp.float32) * 0.05
    # Router weights (rand_init_router=True)
    router_w = jax.random.normal(ks[8], (D_EMB + D_IN, E), dtype=jnp.float32) * 0.02
    return {
        'inputs': inputs, 'embed': embed, 'seq_len': seq_len, 'is_training': is_training,
        'w1': w1, 'b1': b1, 'w2': w2,
        'left_factor': left_factor, 'cur_factor': cur_factor, 'right_factor': right_factor,
        'router_w': router_w,
    }


def reference(inputs, embed, seq_len, is_training, w1, b1, w2, left_factor, cur_factor, right_factor, router_w):
    Bq, Tq, Din = inputs.shape
    x = inputs.reshape(-1, Din)
    e = embed.reshape(-1, embed.shape[-1])
    embed_inputs = jnp.concatenate([e, x], axis=-1)
    # gate(): router logits -> softmax -> top-1
    router_logits = embed_inputs @ router_w
    router_probs = jax.nn.softmax(router_logits, axis=-1)
    gate_value = router_probs.max(axis=-1)
    gate_idx = router_probs.argmax(axis=-1)
    N = x.shape[0]
    # MoE dispatch with capacity (MOEScatter equivalent, top-1, capacity drop)
    one_hot = jax.nn.one_hot(gate_idx, E, dtype=x.dtype)
    pos_in_expert = jnp.sum((jnp.cumsum(one_hot, axis=0) - 1.0) * one_hot, axis=1).astype(jnp.int32)
    keep = (pos_in_expert < CAP)
    posc = jnp.clip(pos_in_expert, 0, CAP - 1)
    keepf = keep.astype(x.dtype)[:, None]
    buf = jnp.zeros((E, CAP, Din), dtype=x.dtype).at[gate_idx, posc].add(x * keepf)
    # expert_fn: hid_proj -> relu -> mem_proj  (dropout=0, upper_bound=None)
    h = jax.nn.relu(jnp.einsum('ecd,edh->ech', buf, w1) + b1[:, None, :])
    m = jnp.einsum('ech,ehd->ecd', h, w2)
    # MOEGather equivalent + gate scaling
    y = m[gate_idx, posc] * keepf
    p = (y * gate_value[:, None]).reshape(Bq, Tq, D_MEM)
    # cFSMN memory block: FIR filter over strided context
    padded = jnp.pad(p, ((0, 0), (PAD, PAD), (0, 0)))
    mem = p * cur_factor[0]
    for i in range(1, LOOK_BACK + 1):
        s = PAD - i * STRIDE_L
        mem = mem + padded[:, s:s + Tq, :] * left_factor[i - 1]
    for j in range(1, LOOK_AHEAD + 1):
        s = PAD + j * STRIDE_R
        mem = mem + padded[:, s:s + Tq, :] * right_factor[j - 1]
    # skip connection (skip_connect=True requires input_dim == mem_dim)
    out = mem + inputs
    # mask invalid frames per seq_len
    mask = (jnp.arange(Tq)[None, :] < seq_len[:, None]).astype(out.dtype)
    out = out * mask[:, :, None]
    return out

if __name__ == "__main__":
    import jax
    _d = setup_inputs()
    print(jax.jit(kernel)(*tuple(_d.values())))

</pallas_src>

<mosaic_0001>
#map = affine_map<(d0, d1) -> (0, 0)>
#map1 = affine_map<(d0, d1) -> (0)>
module attributes {stable_mosaic.version = 14 : i64} {
  func.func @k(%arg0: i32, %arg1: i32, %arg2: memref<4096x768xf32, #tpu.memory_space<hbm>>, %arg3: memref<4096xi32, #tpu.memory_space<hbm>>, %arg4: memref<4096x768xf32, #tpu.memory_space<hbm>>, %arg5: memref<128xi32, #tpu.memory_space<vmem>>, %arg6: memref<128x768xf32, #tpu.memory_space<vmem>>, %arg7: memref<!tpu.dma_semaphore, #tpu.memory_space<semaphore_mem>>) attributes {dimension_semantics = [#tpu.dimension_semantics<core_parallel>, #tpu.dimension_semantics<subcore_parallel>], iteration_bounds = array<i64: 2, 16>, scalar_prefetch = 0 : i64, scratch_operands = 3 : i64, tpu.core_type = #tpu.core_type<sc_vector_subcore>, window_params = [{transform_indices = #map}, {transform_indices = #map1}, {transform_indices = #map}]} {
    %mul3A = arith.constant 2 : i32
    %mul3A_0 = arith.muli %arg1, %mul3A : i32
    %add3A = arith.addi %mul3A_0, %arg0 : i32
    %mul3A_1 = arith.constant 128 : i32
    %mul3A_2 = arith.muli %add3A, %mul3A_1 : i32
    "tpu.region"() ({
      %run_scoped3A = tpu.sem_alloc : memref<!tpu.dma_semaphore, #tpu.memory_space<semaphore_mem>>
      %dma_start3A_7 = tpu.memref_slice %arg3[%mul3A_2] : memref<4096xi32, #tpu.memory_space<hbm>> -> memref<128xi32, #tpu.memory_space<hbm>>
      %dma_start3A_8 = tpu.memref_slice %arg3[%mul3A_2] : memref<4096xi32, #tpu.memory_space<hbm>> -> memref<128xi32, #tpu.memory_space<hbm>>
      tpu.enqueue_dma source(%dma_start3A_8 : memref<128xi32, #tpu.memory_space<hbm>>) target(%arg5 : memref<128xi32, #tpu.memory_space<vmem>>) target_semaphore(%run_scoped3A : memref<!tpu.dma_semaphore, #tpu.memory_space<semaphore_mem>>)
      %dma_wait3A_9 = tpu.memref_slice %arg3[%mul3A_2] : memref<4096xi32, #tpu.memory_space<hbm>> -> memref<128xi32, #tpu.memory_space<hbm>>
      %dma_wait3A_10 = tpu.memref_slice %arg3[%mul3A_2] : memref<4096xi32, #tpu.memory_space<hbm>> -> memref<128xi32, #tpu.memory_space<hbm>>
      tpu.wait_dma2 semaphore(%run_scoped3A : memref<!tpu.dma_semaphore, #tpu.memory_space<semaphore_mem>>) src(%dma_wait3A_10 : memref<128xi32, #tpu.memory_space<hbm>>) dst(%arg5 : memref<128xi32, #tpu.memory_space<vmem>>)
      tpu.yield
    }) : () -> ()
    %dma_start3A = arith.constant 0 : i32
    %dma_start3A_3 = arith.constant 0 : i32
    %dma_start3A_4 = tpu.memref_slice %arg2[%dma_start3A, %dma_start3A_3] : memref<4096x768xf32, #tpu.memory_space<hbm>> -> memref<4096x768xf32, #tpu.memory_space<hbm>>
    tpu.enqueue_indirect_dma source(%dma_start3A_4 : memref<4096x768xf32, #tpu.memory_space<hbm>>) target(%arg6 : memref<128x768xf32, #tpu.memory_space<vmem>>) offsets(%arg5 : memref<128xi32, #tpu.memory_space<vmem>>) semaphore(%arg7 : memref<!tpu.dma_semaphore, #tpu.memory_space<semaphore_mem>>)
    %dma_wait3A = arith.constant 0 : i32
    %dma_wait3A_5 = arith.constant 0 : i32
    %dma_wait3A_6 = tpu.memref_slice %arg2[%dma_wait3A, %dma_wait3A_5] : memref<4096x768xf32, #tpu.memory_space<hbm>> -> memref<4096x768xf32, #tpu.memory_space<hbm>>
    tpu.wait_indirect_dma semaphore(%arg7 : memref<!tpu.dma_semaphore, #tpu.memory_space<semaphore_mem>>) src(%dma_wait3A_6 : memref<4096x768xf32, #tpu.memory_space<hbm>>) dst(%arg6 : memref<128x768xf32, #tpu.memory_space<vmem>>)
    "tpu.region"() ({
      %run_scoped3A = tpu.sem_alloc : memref<!tpu.dma_semaphore, #tpu.memory_space<semaphore_mem>>
      %dma_start3A_7 = arith.constant 0 : i32
      %dma_start3A_8 = tpu.memref_slice %arg4[%mul3A_2, %dma_start3A_7] : memref<4096x768xf32, #tpu.memory_space<hbm>> -> memref<128x768xf32, #tpu.memory_space<hbm>>
      %dma_start3A_9 = arith.constant 0 : i32
      %dma_start3A_10 = tpu.memref_slice %arg4[%mul3A_2, %dma_start3A_9] : memref<4096x768xf32, #tpu.memory_space<hbm>> -> memref<128x768xf32, #tpu.memory_space<hbm>>
      tpu.enqueue_dma source(%arg6 : memref<128x768xf32, #tpu.memory_space<vmem>>) target(%dma_start3A_10 : memref<128x768xf32, #tpu.memory_space<hbm>>) target_semaphore(%run_scoped3A : memref<!tpu.dma_semaphore, #tpu.memory_space<semaphore_mem>>)
      %dma_wait3A_11 = arith.constant 0 : i32
      %dma_wait3A_12 = tpu.memref_slice %arg4[%mul3A_2, %dma_wait3A_11] : memref<4096x768xf32, #tpu.memory_space<hbm>> -> memref<128x768xf32, #tpu.memory_space<hbm>>
      %dma_wait3A_13 = arith.constant 0 : i32
      %dma_wait3A_14 = tpu.memref_slice %arg4[%mul3A_2, %dma_wait3A_13] : memref<4096x768xf32, #tpu.memory_space<hbm>> -> memref<128x768xf32, #tpu.memory_space<hbm>>
      tpu.wait_dma2 semaphore(%run_scoped3A : memref<!tpu.dma_semaphore, #tpu.memory_space<semaphore_mem>>) src(%arg6 : memref<128x768xf32, #tpu.memory_space<vmem>>) dst(%dma_wait3A_14 : memref<128x768xf32, #tpu.memory_space<hbm>>)
      tpu.yield
    }) : () -> ()
    return
  }
}

#map = affine_map<(d0, d1) -> (0, 0)>
#map1 = affine_map<(d0, d1) -> (0)>
module attributes {stable_mosaic.version = 14 : i64} {
  func.func @k(%arg0: i32, %arg1: i32, %arg2: memref<4096x768xf32, #tpu.memory_space<hbm>>, %arg3: memref<4096xi32, #tpu.memory_space<hbm>>, %arg4: memref<8192x768xf32, #tpu.memory_space<hbm>>, %arg5: memref<128xi32, #tpu.memory_space<vmem>>, %arg6: memref<128x768xf32, #tpu.memory_space<vmem>>, %arg7: memref<!tpu.dma_semaphore, #tpu.memory_space<semaphore_mem>>) attributes {dimension_semantics = [#tpu.dimension_semantics<core_parallel>, #tpu.dimension_semantics<subcore_parallel>], iteration_bounds = array<i64: 2, 16>, scalar_prefetch = 0 : i64, scratch_operands = 3 : i64, tpu.core_type = #tpu.core_type<sc_vector_subcore>, window_params = [{transform_indices = #map}, {transform_indices = #map1}, {transform_indices = #map}]} {
    %mul3A = arith.constant 2 : i32
    %mul3A_0 = arith.muli %arg1, %mul3A : i32
    %add3A = arith.addi %mul3A_0, %arg0 : i32
    %mul3A_1 = arith.constant 128 : i32
    %mul3A_2 = arith.muli %add3A, %mul3A_1 : i32
    "tpu.region"() ({
      %run_scoped3A = tpu.sem_alloc : memref<!tpu.dma_semaphore, #tpu.memory_space<semaphore_mem>>
      %dma_start3A_7 = tpu.memref_slice %arg3[%mul3A_2] : memref<4096xi32, #tpu.memory_space<hbm>> -> memref<128xi32, #tpu.memory_space<hbm>>
      %dma_start3A_8 = tpu.memref_slice %arg3[%mul3A_2] : memref<4096xi32, #tpu.memory_space<hbm>> -> memref<128xi32, #tpu.memory_space<hbm>>
      tpu.enqueue_dma source(%dma_start3A_8 : memref<128xi32, #tpu.memory_space<hbm>>) target(%arg5 : memref<128xi32, #tpu.memory_space<vmem>>) target_semaphore(%run_scoped3A : memref<!tpu.dma_semaphore, #tpu.memory_space<semaphore_mem>>)
      %dma_wait3A_9 = tpu.memref_slice %arg3[%mul3A_2] : memref<4096xi32, #tpu.memory_space<hbm>> -> memref<128xi32, #tpu.memory_space<hbm>>
      %dma_wait3A_10 = tpu.memref_slice %arg3[%mul3A_2] : memref<4096xi32, #tpu.memory_space<hbm>> -> memref<128xi32, #tpu.memory_space<hbm>>
      tpu.wait_dma2 semaphore(%run_scoped3A : memref<!tpu.dma_semaphore, #tpu.memory_space<semaphore_mem>>) src(%dma_wait3A_10 : memref<128xi32, #tpu.memory_space<hbm>>) dst(%arg5 : memref<128xi32, #tpu.memory_space<vmem>>)
      tpu.yield
    }) : () -> ()
    "tpu.region"() ({
      %run_scoped3A = tpu.sem_alloc : memref<!tpu.dma_semaphore, #tpu.memory_space<semaphore_mem>>
      %dma_start3A_7 = arith.constant 0 : i32
      %dma_start3A_8 = tpu.memref_slice %arg2[%mul3A_2, %dma_start3A_7] : memref<4096x768xf32, #tpu.memory_space<hbm>> -> memref<128x768xf32, #tpu.memory_space<hbm>>
      %dma_start3A_9 = arith.constant 0 : i32
      %dma_start3A_10 = tpu.memref_slice %arg2[%mul3A_2, %dma_start3A_9] : memref<4096x768xf32, #tpu.memory_space<hbm>> -> memref<128x768xf32, #tpu.memory_space<hbm>>
      tpu.enqueue_dma source(%dma_start3A_10 : memref<128x768xf32, #tpu.memory_space<hbm>>) target(%arg6 : memref<128x768xf32, #tpu.memory_space<vmem>>) target_semaphore(%run_scoped3A : memref<!tpu.dma_semaphore, #tpu.memory_space<semaphore_mem>>)
      %dma_wait3A_11 = arith.constant 0 : i32
      %dma_wait3A_12 = tpu.memref_slice %arg2[%mul3A_2, %dma_wait3A_11] : memref<4096x768xf32, #tpu.memory_space<hbm>> -> memref<128x768xf32, #tpu.memory_space<hbm>>
      %dma_wait3A_13 = arith.constant 0 : i32
      %dma_wait3A_14 = tpu.memref_slice %arg2[%mul3A_2, %dma_wait3A_13] : memref<4096x768xf32, #tpu.memory_space<hbm>> -> memref<128x768xf32, #tpu.memory_space<hbm>>
      tpu.wait_dma2 semaphore(%run_scoped3A : memref<!tpu.dma_semaphore, #tpu.memory_space<semaphore_mem>>) src(%dma_wait3A_14 : memref<128x768xf32, #tpu.memory_space<hbm>>) dst(%arg6 : memref<128x768xf32, #tpu.memory_space<vmem>>)
      tpu.yield
    }) : () -> ()
    %dma_start3A = arith.constant 0 : i32
    %dma_start3A_3 = arith.constant 0 : i32
    %dma_start3A_4 = tpu.memref_slice %arg4[%dma_start3A, %dma_start3A_3] : memref<8192x768xf32, #tpu.memory_space<hbm>> -> memref<8192x768xf32, #tpu.memory_space<hbm>>
    tpu.enqueue_indirect_dma source(%arg6 : memref<128x768xf32, #tpu.memory_space<vmem>>) target(%dma_start3A_4 : memref<8192x768xf32, #tpu.memory_space<hbm>>) offsets(%arg5 : memref<128xi32, #tpu.memory_space<vmem>>) semaphore(%arg7 : memref<!tpu.dma_semaphore, #tpu.memory_space<semaphore_mem>>)
    %dma_wait3A = arith.constant 0 : i32
    %dma_wait3A_5 = arith.constant 0 : i32
    %dma_wait3A_6 = tpu.memref_slice %arg4[%dma_wait3A, %dma_wait3A_5] : memref<8192x768xf32, #tpu.memory_space<hbm>> -> memref<8192x768xf32, #tpu.memory_space<hbm>>
    tpu.wait_indirect_dma semaphore(%arg7 : memref<!tpu.dma_semaphore, #tpu.memory_space<semaphore_mem>>) src(%arg6 : memref<128x768xf32, #tpu.memory_space<vmem>>) dst(%dma_wait3A_6 : memref<8192x768xf32, #tpu.memory_space<hbm>>)
    return
  }
}

module attributes {stable_mosaic.version = 14 : i64} {
  func.func @_expert_body2(%arg0: i32, %arg1: memref<512x768xf32, #tpu.memory_space<vmem>>, %arg2: memref<1x768x2048xf32, #tpu.memory_space<vmem>>, %arg3: memref<1x1x2048xf32, #tpu.memory_space<vmem>>, %arg4: memref<1x2048x768xf32, #tpu.memory_space<vmem>>, %arg5: memref<512x768xf32, #tpu.memory_space<vmem>>) attributes {dimension_semantics = [#tpu.dimension_semantics<arbitrary>], iteration_bounds = array<i64: 8>, scalar_prefetch = 0 : i64, scratch_operands = 0 : i64, tpu.core_type = #tpu.core_type<tc>, window_params = [{transform_indices = @transform_0, window_bounds = array<i64: 512, 768>}, {transform_indices = @transform_1, window_bounds = array<i64: 1, 768, 2048>}, {transform_indices = @transform_2, window_bounds = array<i64: 1, 1, 2048>}, {transform_indices = @transform_3, window_bounds = array<i64: 1, 2048, 768>}, {transform_indices = @transform_4, window_bounds = array<i64: 512, 768>}]} {
    %get3A = arith.constant 0 : index
    %get3A_0 = arith.constant 0 : index
    %get3A_1 = vector.load %arg1[%get3A, %get3A_0] : memref<512x768xf32, #tpu.memory_space<vmem>>, vector<512x768xf32>
    %get3A_2 = arith.constant 0 : index
    %get3A_3 = arith.constant 0 : index
    %get3A_4 = arith.constant 0 : index
    %get3A_5 = vector.load %arg2[%get3A_2, %get3A_3, %get3A_4] : memref<1x768x2048xf32, #tpu.memory_space<vmem>>, vector<1x768x2048xf32>
    %get3A_6 = vector.shape_cast %get3A_5 : vector<1x768x2048xf32> to vector<768x2048xf32>
    %dot_general3A = arith.constant dense<0.000000e+00> : vector<512x2048xf32>
    %dot_general3A_7 = tpu.matmul %get3A_1, %get3A_6, %dot_general3A {dimension_numbers = #tpu.dot_dimension_numbers<[1], [0], [0], [1], [0, 0, 1, 1], [], []>, transpose_lhs_hint = false} : vector<512x768xf32>, vector<768x2048xf32>, vector<512x2048xf32> -> vector<512x2048xf32>
    %get3A_8 = arith.constant 0 : index
    %get3A_9 = arith.constant 0 : index
    %get3A_10 = arith.constant 0 : index
    %get3A_11 = vector.load %arg3[%get3A_8, %get3A_9, %get3A_10] : memref<1x1x2048xf32, #tpu.memory_space<vmem>>, vector<1x1x2048xf32>
    %get3A_12 = vector.shape_cast %get3A_11 : vector<1x1x2048xf32> to vector<1x2048xf32>
    %add3A = vector.broadcast %get3A_12 : vector<1x2048xf32> to vector<512x2048xf32>
    %add3A_13 = arith.addf %dot_general3A_7, %add3A : vector<512x2048xf32>
    %max3A = arith.constant 0.000000e+00 : f32
    %max3A_14 = vector.broadcast %max3A : f32 to vector<512x2048xf32>
    %max3A_15 = arith.maximumf %add3A_13, %max3A_14 : vector<512x2048xf32>
    %get3A_16 = arith.constant 0 : index
    %get3A_17 = arith.constant 0 : index
    %get3A_18 = arith.constant 0 : index
    %get3A_19 = vector.load %arg4[%get3A_16, %get3A_17, %get3A_18] : memref<1x2048x768xf32, #tpu.memory_space<vmem>>, vector<1x2048x768xf32>
    %get3A_20 = vector.shape_cast %get3A_19 : vector<1x2048x768xf32> to vector<2048x768xf32>
    %dot_general3A_21 = arith.constant dense<0.000000e+00> : vector<512x768xf32>
    %dot_general3A_22 = tpu.matmul %max3A_15, %get3A_20, %dot_general3A_21 {dimension_numbers = #tpu.dot_dimension_numbers<[1], [0], [0], [1], [0, 0, 1, 1], [], []>, transpose_lhs_hint = false} : vector<512x2048xf32>, vector<2048x768xf32>, vector<512x768xf32> -> vector<512x768xf32>
    %swap3A = arith.constant 0 : index
    %swap3A_23 = arith.constant 0 : index
    %swap3A_24 = vector.load %arg5[%swap3A, %swap3A_23] : memref<512x768xf32, #tpu.memory_space<vmem>>, vector<512x768xf32>
    tpu.vector_store %arg5[%swap3A, %swap3A_23], %dot_general3A_22 {strides = array<i32>} : memref<512x768xf32, #tpu.memory_space<vmem>>, vector<512x768xf32>,
    return
  }
  func.func @transform_0(%arg0: i32) -> (i32, i32) {
    %c0_i32 = arith.constant 0 : i32
    %c0_i32_0 = arith.constant 0 : i32
    return %arg0, %c0_i32 : i32, i32
  }
  func.func @transform_1(%arg0: i32) -> (i32, i32, i32) {
    %c0_i32 = arith.constant 0 : i32
    %c0_i32_0 = arith.constant 0 : i32
    %c0_i32_1 = arith.constant 0 : i32
    return %arg0, %c0_i32, %c0_i32_0 : i32, i32, i32
  }
  func.func @transform_2(%arg0: i32) -> (i32, i32, i32) {
    %c0_i32 = arith.constant 0 : i32
    %c0_i32_0 = arith.constant 0 : i32
    %c0_i32_1 = arith.constant 0 : i32
    return %arg0, %c0_i32, %c0_i32_0 : i32, i32, i32
  }
  func.func @transform_3(%arg0: i32) -> (i32, i32, i32) {
    %c0_i32 = arith.constant 0 : i32
    %c0_i32_0 = arith.constant 0 : i32
    %c0_i32_1 = arith.constant 0 : i32
    return %arg0, %c0_i32, %c0_i32_0 : i32, i32, i32
  }
  func.func @transform_4(%arg0: i32) -> (i32, i32) {
    %c0_i32 = arith.constant 0 : i32
    %c0_i32_0 = arith.constant 0 : i32
    return %arg0, %c0_i32 : i32, i32
  }
}

module attributes {stable_mosaic.version = 14 : i64} {
  func.func @_fsmn_body(%arg0: i32, %arg1: i32, %arg2: memref<1x2048x384xf32, #tpu.memory_space<vmem>>, %arg3: memref<1x2048x1xf32, #tpu.memory_space<vmem>>, %arg4: memref<1x2048x384xf32, #tpu.memory_space<vmem>>, %arg5: memref<1x1x1xi32, #tpu.memory_space<vmem>>, %arg6: memref<5x384xf32, #tpu.memory_space<vmem>>, %arg7: memref<1x384xf32, #tpu.memory_space<vmem>>, %arg8: memref<5x384xf32, #tpu.memory_space<vmem>>, %arg9: memref<1x2048x384xf32, #tpu.memory_space<vmem>>) attributes {dimension_semantics = [#tpu.dimension_semantics<arbitrary>, #tpu.dimension_semantics<arbitrary>], iteration_bounds = array<i64: 2, 2>, scalar_prefetch = 0 : i64, scratch_operands = 0 : i64, tpu.core_type = #tpu.core_type<tc>, window_params = [{transform_indices = @transform_0, window_bounds = array<i64: 1, 2048, 384>}, {transform_indices = @transform_1, window_bounds = array<i64: 1, 2048, 1>}, {transform_indices = @transform_2, window_bounds = array<i64: 1, 2048, 384>}, {transform_indices = @transform_3, window_bounds = array<i64: 1, 1, 1>}, {transform_indices = @transform_4, window_bounds = array<i64: 5, 384>}, {transform_indices = @transform_5, window_bounds = array<i64: 1, 384>}, {transform_indices = @transform_6, window_bounds = array<i64: 5, 384>}, {transform_indices = @transform_7, window_bounds = array<i64: 1, 2048, 384>}]} {
    %get3A = arith.constant 0 : index
    %get3A_0 = arith.constant 0 : index
    %get3A_1 = arith.constant 0 : index
    %get3A_2 = vector.load %arg3[%get3A, %get3A_0, %get3A_1] : memref<1x2048x1xf32, #tpu.memory_space<vmem>>, vector<1x2048x1xf32>
    %get3A_3 = vector.shape_cast %get3A_2 : vector<1x2048x1xf32> to vector<2048x1xf32>
    %gt3A = arith.constant 0.000000e+00 : f32
    %gt3A_4 = vector.broadcast %gt3A : f32 to vector<2048x1xf32>
    %gt3A_5 = arith.cmpf ogt, %get3A_3, %gt3A_4 : vector<2048x1xf32>
    %get3A_6 = arith.constant 0 : index
    %get3A_7 = arith.constant 0 : index
    %get3A_8 = arith.constant 0 : index
    %get3A_9 = vector.load %arg2[%get3A_6, %get3A_7, %get3A_8] : memref<1x2048x384xf32, #tpu.memory_space<vmem>>, vector<1x2048x384xf32>
    %get3A_10 = vector.shape_cast %get3A_9 : vector<1x2048x384xf32> to vector<2048x384xf32>
    %mul3A = vector.broadcast %get3A_3 : vector<2048x1xf32> to vector<2048x384xf32>
    %mul3A_11 = arith.mulf %get3A_10, %mul3A : vector<2048x384xf32>
    %jit3A = arith.constant 0.000000e+00 : f32
    %broadcast_in_dim3A = vector.shape_cast %gt3A_5 : vector<2048x1xi1> to vector<2048x1xi1>
    %broadcast_in_dim3A_12 = vector.broadcast %broadcast_in_dim3A : vector<2048x1xi1> to vector<2048x384xi1>
    %broadcast_in_dim3A_13 = vector.broadcast %jit3A : f32 to vector<2048x384xf32>
    %select_n3A = arith.select %broadcast_in_dim3A_12, %mul3A_11, %broadcast_in_dim3A_13 : vector<2048x384xi1>, vector<2048x384xf32>
    %broadcast_in_dim3A_14 = arith.constant 0.000000e+00 : f32
    %broadcast_in_dim3A_15 = vector.broadcast %broadcast_in_dim3A_14 : f32 to vector<5x384xf32>
    %concatenate3A = tpu.concatenate %broadcast_in_dim3A_15, %select_n3A, %broadcast_in_dim3A_15 in 0 : vector<5x384xf32>, vector<2048x384xf32>, vector<5x384xf32> -> vector<2058x384xf32>
    %get3A_16 = arith.constant 0 : index
    %get3A_17 = arith.constant 0 : index
    %get3A_18 = vector.load %arg7[%get3A_16, %get3A_17] : memref<1x384xf32, #tpu.memory_space<vmem>>, vector<1x384xf32>
    %get3A_19 = vector.shape_cast %get3A_18 : vector<1x384xf32> to vector<384xf32>
    %broadcast_in_dim3A_20 = vector.shape_cast %get3A_19 : vector<384xf32> to vector<1x384xf32>
    %mul3A_21 = vector.broadcast %broadcast_in_dim3A_20 : vector<1x384xf32> to vector<2048x384xf32>
    %mul3A_22 = arith.mulf %select_n3A, %mul3A_21 : vector<2048x384xf32>
    %slice3A = vector.extract_strided_slice %concatenate3A {offsets = [4, 0], sizes = [2048, 384], strides = [1, 1]} : vector<2058x384xf32> to vector<2048x384xf32>
    %get3A_23 = arith.constant 0 : index
    %get3A_24 = arith.constant 0 : index
    %get3A_25 = vector.load %arg6[%get3A_23, %get3A_24] : memref<5x384xf32, #tpu.memory_space<vmem>>, vector<1x384xf32>
    %get3A_26 = vector.shape_cast %get3A_25 : vector<1x384xf32> to vector<384xf32>
    %broadcast_in_dim3A_27 = vector.shape_cast %get3A_26 : vector<384xf32> to vector<1x384xf32>
    %mul3A_28 = vector.broadcast %broadcast_in_dim3A_27 : vector<1x384xf32> to vector<2048x384xf32>
    %mul3A_29 = arith.mulf %slice3A, %mul3A_28 : vector<2048x384xf32>
    %add3A = arith.addf %mul3A_22, %mul3A_29 : vector<2048x384xf32>
    %slice3A_30 = vector.extract_strided_slice %concatenate3A {offsets = [3, 0], sizes = [2048, 384], strides = [1, 1]} : vector<2058x384xf32> to vector<2048x384xf32>
    %get3A_31 = arith.constant 1 : index
    %get3A_32 = arith.constant 0 : index
    %get3A_33 = vector.load %arg6[%get3A_31, %get3A_32] : memref<5x384xf32, #tpu.memory_space<vmem>>, vector<1x384xf32>
    %get3A_34 = vector.shape_cast %get3A_33 : vector<1x384xf32> to vector<384xf32>
    %broadcast_in_dim3A_35 = vector.shape_cast %get3A_34 : vector<384xf32> to vector<1x384xf32>
    %mul3A_36 = vector.broadcast %broadcast_in_dim3A_35 : vector<1x384xf32> to vector<2048x384xf32>
    %mul3A_37 = arith.mulf %slice3A_30, %mul3A_36 : vector<2048x384xf32>
    %add3A_38 = arith.addf %add3A, %mul3A_37 : vector<2048x384xf32>
    %slice3A_39 = vector.extract_strided_slice %concatenate3A {offsets = [2, 0], sizes = [2048, 384], strides = [1, 1]} : vector<2058x384xf32> to vector<2048x384xf32>
    %get3A_40 = arith.constant 2 : index
    %get3A_41 = arith.constant 0 : index
    %get3A_42 = vector.load %arg6[%get3A_40, %get3A_41] : memref<5x384xf32, #tpu.memory_space<vmem>>, vector<1x384xf32>
    %get3A_43 = vector.shape_cast %get3A_42 : vector<1x384xf32> to vector<384xf32>
    %broadcast_in_dim3A_44 = vector.shape_cast %get3A_43 : vector<384xf32> to vector<1x384xf32>
    %mul3A_45 = vector.broadcast %broadcast_in_dim3A_44 : vector<1x384xf32> to vector<2048x384xf32>
    %mul3A_46 = arith.mulf %slice3A_39, %mul3A_45 : vector<2048x384xf32>
    %add3A_47 = arith.addf %add3A_38, %mul3A_46 : vector<2048x384xf32>
    %slice3A_48 = vector.extract_strided_slice %concatenate3A {offsets = [1, 0], sizes = [2048, 384], strides = [1, 1]} : vector<2058x384xf32> to vector<2048x384xf32>
    %get3A_49 = arith.constant 3 : index
    %get3A_50 = arith.constant 0 : index
    %get3A_51 = vector.load %arg6[%get3A_49, %get3A_50] : memref<5x384xf32, #tpu.memory_space<vmem>>, vector<1x384xf32>
    %get3A_52 = vector.shape_cast %get3A_51 : vector<1x384xf32> to vector<384xf32>
    %broadcast_in_dim3A_53 = vector.shape_cast %get3A_52 : vector<384xf32> to vector<1x384xf32>
    %mul3A_54 = vector.broadcast %broadcast_in_dim3A_53 : vector<1x384xf32> to vector<2048x384xf32>
    %mul3A_55 = arith.mulf %slice3A_48, %mul3A_54 : vector<2048x384xf32>
    %add3A_56 = arith.addf %add3A_47, %mul3A_55 : vector<2048x384xf32>
    %slice3A_57 = vector.extract_strided_slice %concatenate3A {offsets = [0, 0], sizes = [2048, 384], strides = [1, 1]} : vector<2058x384xf32> to vector<2048x384xf32>
    %get3A_58 = arith.constant 4 : index
    %get3A_59 = arith.constant 0 : index
    %get3A_60 = vector.load %arg6[%get3A_58, %get3A_59] : memref<5x384xf32, #tpu.memory_space<vmem>>, vector<1x384xf32>
    %get3A_61 = vector.shape_cast %get3A_60 : vector<1x384xf32> to vector<384xf32>
    %broadcast_in_dim3A_62 = vector.shape_cast %get3A_61 : vector<384xf32> to vector<1x384xf32>
    %mul3A_63 = vector.broadcast %broadcast_in_dim3A_62 : vector<1x384xf32> to vector<2048x384xf32>
    %mul3A_64 = arith.mulf %slice3A_57, %mul3A_63 : vector<2048x384xf32>
    %add3A_65 = arith.addf %add3A_56, %mul3A_64 : vector<2048x384xf32>
    %slice3A_66 = vector.extract_strided_slice %concatenate3A {offsets = [6, 0], sizes = [2048, 384], strides = [1, 1]} : vector<2058x384xf32> to vector<2048x384xf32>
    %get3A_67 = arith.constant 0 : index
    %get3A_68 = arith.constant 0 : index
    %get3A_69 = vector.load %arg8[%get3A_67, %get3A_68] : memref<5x384xf32, #tpu.memory_space<vmem>>, vector<1x384xf32>
    %get3A_70 = vector.shape_cast %get3A_69 : vector<1x384xf32> to vector<384xf32>
    %broadcast_in_dim3A_71 = vector.shape_cast %get3A_70 : vector<384xf32> to vector<1x384xf32>
    %mul3A_72 = vector.broadcast %broadcast_in_dim3A_71 : vector<1x384xf32> to vector<2048x384xf32>
    %mul3A_73 = arith.mulf %slice3A_66, %mul3A_72 : vector<2048x384xf32>
    %add3A_74 = arith.addf %add3A_65, %mul3A_73 : vector<2048x384xf32>
    %slice3A_75 = vector.extract_strided_slice %concatenate3A {offsets = [7, 0], sizes = [2048, 384], strides = [1, 1]} : vector<2058x384xf32> to vector<2048x384xf32>
    %get3A_76 = arith.constant 1 : index
    %get3A_77 = arith.constant 0 : index
    %get3A_78 = vector.load %arg8[%get3A_76, %get3A_77] : memref<5x384xf32, #tpu.memory_space<vmem>>, vector<1x384xf32>
    %get3A_79 = vector.shape_cast %get3A_78 : vector<1x384xf32> to vector<384xf32>
    %broadcast_in_dim3A_80 = vector.shape_cast %get3A_79 : vector<384xf32> to vector<1x384xf32>
    %mul3A_81 = vector.broadcast %broadcast_in_dim3A_80 : vector<1x384xf32> to vector<2048x384xf32>
    %mul3A_82 = arith.mulf %slice3A_75, %mul3A_81 : vector<2048x384xf32>
    %add3A_83 = arith.addf %add3A_74, %mul3A_82 : vector<2048x384xf32>
    %slice3A_84 = vector.extract_strided_slice %concatenate3A {offsets = [8, 0], sizes = [2048, 384], strides = [1, 1]} : vector<2058x384xf32> to vector<2048x384xf32>
    %get3A_85 = arith.constant 2 : index
    %get3A_86 = arith.constant 0 : index
    %get3A_87 = vector.load %arg8[%get3A_85, %get3A_86] : memref<5x384xf32, #tpu.memory_space<vmem>>, vector<1x384xf32>
    %get3A_88 = vector.shape_cast %get3A_87 : vector<1x384xf32> to vector<384xf32>
    %broadcast_in_dim3A_89 = vector.shape_cast %get3A_88 : vector<384xf32> to vector<1x384xf32>
    %mul3A_90 = vector.broadcast %broadcast_in_dim3A_89 : vector<1x384xf32> to vector<2048x384xf32>
    %mul3A_91 = arith.mulf %slice3A_84, %mul3A_90 : vector<2048x384xf32>
    %add3A_92 = arith.addf %add3A_83, %mul3A_91 : vector<2048x384xf32>
    %slice3A_93 = vector.extract_strided_slice %concatenate3A {offsets = [9, 0], sizes = [2048, 384], strides = [1, 1]} : vector<2058x384xf32> to vector<2048x384xf32>
    %get3A_94 = arith.constant 3 : index
    %get3A_95 = arith.constant 0 : index
    %get3A_96 = vector.load %arg8[%get3A_94, %get3A_95] : memref<5x384xf32, #tpu.memory_space<vmem>>, vector<1x384xf32>
    %get3A_97 = vector.shape_cast %get3A_96 : vector<1x384xf32> to vector<384xf32>
    %broadcast_in_dim3A_98 = vector.shape_cast %get3A_97 : vector<384xf32> to vector<1x384xf32>
    %mul3A_99 = vector.broadcast %broadcast_in_dim3A_98 : vector<1x384xf32> to vector<2048x384xf32>
    %mul3A_100 = arith.mulf %slice3A_93, %mul3A_99 : vector<2048x384xf32>
    %add3A_101 = arith.addf %add3A_92, %mul3A_100 : vector<2048x384xf32>
    %slice3A_102 = vector.extract_strided_slice %concatenate3A {offsets = [10, 0], sizes = [2048, 384], strides = [1, 1]} : vector<2058x384xf32> to vector<2048x384xf32>
    %get3A_103 = arith.constant 4 : index
    %get3A_104 = arith.constant 0 : index
    %get3A_105 = vector.load %arg8[%get3A_103, %get3A_104] : memref<5x384xf32, #tpu.memory_space<vmem>>, vector<1x384xf32>
    %get3A_106 = vector.shape_cast %get3A_105 : vector<1x384xf32> to vector<384xf32>
    %broadcast_in_dim3A_107 = vector.shape_cast %get3A_106 : vector<384xf32> to vector<1x384xf32>
    %mul3A_108 = vector.broadcast %broadcast_in_dim3A_107 : vector<1x384xf32> to vector<2048x384xf32>
    %mul3A_109 = arith.mulf %slice3A_102, %mul3A_108 : vector<2048x384xf32>
    %add3A_110 = arith.addf %add3A_101, %mul3A_109 : vector<2048x384xf32>
    %iota3A = tpu.iota {dimensions = array<i32: 0>} : vector<2048x1xi32>
    %get3A_111 = arith.constant 0 : index
    %get3A_112 = arith.constant 0 : index
    %get3A_113 = arith.constant 0 : index
    %get3A_114 = vector.load %arg5[%get3A_111, %get3A_112, %get3A_113] : memref<1x1x1xi32, #tpu.memory_space<vmem>>, vector<1x1x1xi32>
    %get3A_115 = vector.extract %get3A_114[0, 0, 0] : i32 from vector<1x1x1xi32>
    %lt3A = vector.broadcast %get3A_115 : i32 to vector<2048x1xi32>
    %lt3A_116 = arith.cmpi slt, %iota3A, %lt3A : vector<2048x1xi32>
    %convert_element_type3A = arith.extui %lt3A_116 : vector<2048x1xi1> to vector<2048x1xi32>
    %convert_element_type3A_117 = arith.sitofp %convert_element_type3A : vector<2048x1xi32> to vector<2048x1xf32>
    %get3A_118 = arith.constant 0 : index
    %get3A_119 = arith.constant 0 : index
    %get3A_120 = arith.constant 0 : index
    %get3A_121 = vector.load %arg4[%get3A_118, %get3A_119, %get3A_120] : memref<1x2048x384xf32, #tpu.memory_space<vmem>>, vector<1x2048x384xf32>
    %get3A_122 = vector.shape_cast %get3A_121 : vector<1x2048x384xf32> to vector<2048x384xf32>
    %add3A_123 = arith.addf %add3A_110, %get3A_122 : vector<2048x384xf32>
    %mul3A_124 = vector.broadcast %convert_element_type3A_117 : vector<2048x1xf32> to vector<2048x384xf32>
    %mul3A_125 = arith.mulf %add3A_123, %mul3A_124 : vector<2048x384xf32>
    %swap3A = arith.constant 0 : index
    %swap3A_126 = arith.constant 0 : index
    %swap3A_127 = arith.constant 0 : index
    %swap3A_128 = vector.load %arg9[%swap3A, %swap3A_126, %swap3A_127] : memref<1x2048x384xf32, #tpu.memory_space<vmem>>, vector<1x2048x384xf32>
    %swap3A_129 = vector.shape_cast %swap3A_128 : vector<1x2048x384xf32> to vector<2048x384xf32>
    %swap3A_130 = vector.shape_cast %mul3A_125 : vector<2048x384xf32> to vector<1x2048x384xf32>
    tpu.vector_store %arg9[%swap3A, %swap3A_126, %swap3A_127], %swap3A_130 {strides = array<i32>} : memref<1x2048x384xf32, #tpu.memory_space<vmem>>, vector<1x2048x384xf32>,
    return
  }
  func.func @transform_0(%arg0: i32, %arg1: i32) -> (i32, i32, i32) {
    %c0_i32 = arith.constant 0 : i32
    %c0_i32_0 = arith.constant 0 : i32
    return %arg0, %c0_i32, %arg1 : i32, i32, i32
  }
  func.func @transform_1(%arg0: i32, %arg1: i32) -> (i32, i32, i32) {
    %c0_i32 = arith.constant 0 : i32
    %c0_i32_0 = arith.constant 0 : i32
    %c0_i32_1 = arith.constant 0 : i32
    return %arg0, %c0_i32, %c0_i32_0 : i32, i32, i32
  }
  func.func @transform_2(%arg0: i32, %arg1: i32) -> (i32, i32, i32) {
    %c0_i32 = arith.constant 0 : i32
    %c0_i32_0 = arith.constant 0 : i32
    return %arg0, %c0_i32, %arg1 : i32, i32, i32
  }
  func.func @transform_3(%arg0: i32, %arg1: i32) -> (i32, i32, i32) {
    %c0_i32 = arith.constant 0 : i32
    %c0_i32_0 = arith.constant 0 : i32
    %c0_i32_1 = arith.constant 0 : i32
    return %arg0, %c0_i32, %c0_i32_0 : i32, i32, i32
  }
  func.func @transform_4(%arg0: i32, %arg1: i32) -> (i32, i32) {
    %c0_i32 = arith.constant 0 : i32
    %c0_i32_0 = arith.constant 0 : i32
    return %c0_i32, %arg1 : i32, i32
  }
  func.func @transform_5(%arg0: i32, %arg1: i32) -> (i32, i32) {
    %c0_i32 = arith.constant 0 : i32
    %c0_i32_0 = arith.constant 0 : i32
    return %c0_i32, %arg1 : i32, i32
  }
  func.func @transform_6(%arg0: i32, %arg1: i32) -> (i32, i32) {
    %c0_i32 = arith.constant 0 : i32
    %c0_i32_0 = arith.constant 0 : i32
    return %c0_i32, %arg1 : i32, i32
  }
  func.func @transform_7(%arg0: i32, %arg1: i32) -> (i32, i32, i32) {
    %c0_i32 = arith.constant 0 : i32
    %c0_i32_0 = arith.constant 0 : i32
    return %arg0, %c0_i32, %arg1 : i32, i32, i32
  }
}

module attributes {stable_mosaic.version = 14 : i64} {
  func.func @_router_body(%arg0: memref<4096x768xf32, #tpu.memory_space<vmem>>, %arg1: memref<4096x768xf32, #tpu.memory_space<vmem>>, %arg2: memref<768x8xf32, #tpu.memory_space<vmem>>, %arg3: memref<768x8xf32, #tpu.memory_space<vmem>>, %arg4: memref<32x128xi32, #tpu.memory_space<vmem>>, %arg5: memref<32x128xi32, #tpu.memory_space<vmem>>, %arg6: memref<4096x1xf32, #tpu.memory_space<vmem>>) attributes {dimension_semantics = [], scalar_prefetch = 0 : i64, scratch_operands = 0 : i64, tpu.core_type = #tpu.core_type<tc>} {
    %get3A = arith.constant 0 : index
    %get3A_0 = arith.constant 0 : index
    %get3A_1 = vector.load %arg0[%get3A, %get3A_0] : memref<4096x768xf32, #tpu.memory_space<vmem>>, vector<4096x768xf32>
    %get3A_2 = arith.constant 0 : index
    %get3A_3 = arith.constant 0 : index
    %get3A_4 = vector.load %arg2[%get3A_2, %get3A_3] : memref<768x8xf32, #tpu.memory_space<vmem>>, vector<768x8xf32>
    %dot_general3A = arith.constant dense<0.000000e+00> : vector<4096x8xf32>
    %dot_general3A_5 = tpu.matmul %get3A_1, %get3A_4, %dot_general3A {dimension_numbers = #tpu.dot_dimension_numbers<[1], [0], [0], [1], [0, 0, 1, 1], [], []>, transpose_lhs_hint = false} : vector<4096x768xf32>, vector<768x8xf32>, vector<4096x8xf32> -> vector<4096x8xf32>
    %get3A_6 = arith.constant 0 : index
    %get3A_7 = arith.constant 0 : index
    %get3A_8 = vector.load %arg1[%get3A_6, %get3A_7] : memref<4096x768xf32, #tpu.memory_space<vmem>>, vector<4096x768xf32>
    %get3A_9 = arith.constant 0 : index
    %get3A_10 = arith.constant 0 : index
    %get3A_11 = vector.load %arg3[%get3A_9, %get3A_10] : memref<768x8xf32, #tpu.memory_space<vmem>>, vector<768x8xf32>
    %dot_general3A_12 = arith.constant dense<0.000000e+00> : vector<4096x8xf32>
    %dot_general3A_13 = tpu.matmul %get3A_8, %get3A_11, %dot_general3A_12 {dimension_numbers = #tpu.dot_dimension_numbers<[1], [0], [0], [1], [0, 0, 1, 1], [], []>, transpose_lhs_hint = false} : vector<4096x768xf32>, vector<768x8xf32>, vector<4096x8xf32> -> vector<4096x8xf32>
    %add3A = arith.addf %dot_general3A_5, %dot_general3A_13 : vector<4096x8xf32>
    %reduce_max3A = arith.constant dense<0xFF800000> : vector<4096xf32>
    %reduce_max3A_14 = vector.multi_reduction <maximumf>, %add3A, %reduce_max3A [1] : vector<4096x8xf32> to vector<4096xf32>
    %broadcast_in_dim3A = vector.shape_cast %reduce_max3A_14 : vector<4096xf32> to vector<4096x1xf32>
    %sub3A = vector.broadcast %broadcast_in_dim3A : vector<4096x1xf32> to vector<4096x8xf32>
    %sub3A_15 = arith.subf %add3A, %sub3A : vector<4096x8xf32>
    %exp3A = math.exp %sub3A_15 : vector<4096x8xf32>
    %reduce_sum3A = arith.constant dense<0.000000e+00> : vector<4096xf32>
    %reduce_sum3A_16 = vector.multi_reduction <add>, %exp3A, %reduce_sum3A [1] : vector<4096x8xf32> to vector<4096xf32>
    %broadcast_in_dim3A_17 = vector.shape_cast %reduce_sum3A_16 : vector<4096xf32> to vector<4096x1xf32>
    %div3A = arith.constant 1.000000e+00 : f32
    %div3A_18 = vector.broadcast %div3A : f32 to vector<4096x1xf32>
    %div3A_19 = arith.divf %div3A_18, %broadcast_in_dim3A_17 : vector<4096x1xf32>
    %iota3A = tpu.iota {dimensions = array<i32: 1>} : vector<4096x8xi32>
    %eq3A = vector.broadcast %broadcast_in_dim3A : vector<4096x1xf32> to vector<4096x8xf32>
    %eq3A_20 = arith.cmpf oeq, %add3A, %eq3A : vector<4096x8xf32>
    %jit3A = arith.constant 8 : i32
    %broadcast_in_dim3A_21 = vector.broadcast %jit3A : i32 to vector<4096x8xi32>
    %select_n3A = arith.select %eq3A_20, %iota3A, %broadcast_in_dim3A_21 : vector<4096x8xi1>, vector<4096x8xi32>
    %reduce_min3A = arith.constant dense<2147483647> : vector<4096xi32>
    %reduce_min3A_22 = vector.multi_reduction <minsi>, %select_n3A, %reduce_min3A [1] : vector<4096x8xi32> to vector<4096xi32>
    %broadcast_in_dim3A_23 = vector.shape_cast %reduce_min3A_22 : vector<4096xi32> to vector<4096x1xi32>
    %eq3A_24 = vector.broadcast %broadcast_in_dim3A_23 : vector<4096x1xi32> to vector<4096x8xi32>
    %eq3A_25 = arith.cmpi eq, %iota3A, %eq3A_24 : vector<4096x8xi32>
    %convert_element_type3A = arith.extui %eq3A_25 : vector<4096x8xi1> to vector<4096x8xi32>
    %convert_element_type3A_26 = arith.sitofp %convert_element_type3A : vector<4096x8xi32> to vector<4096x8xf32>
    %iota3A_27 = tpu.iota {dimensions = array<i32: 0>} : vector<1024x1024xi32>
    %iota3A_28 = tpu.iota {dimensions = array<i32: 1>} : vector<1024x1024xi32>
    %ge3A = arith.cmpi sge, %iota3A_27, %iota3A_28 : vector<1024x1024xi32>
    %convert_element_type3A_29 = arith.extui %ge3A : vector<1024x1024xi1> to vector<1024x1024xi32>
    %convert_element_type3A_30 = arith.sitofp %convert_element_type3A_29 : vector<1024x1024xi32> to vector<1024x1024xf32>
    %broadcast_in_dim3A_31 = arith.constant 0.000000e+00 : f32
    %broadcast_in_dim3A_32 = vector.broadcast %broadcast_in_dim3A_31 : f32 to vector<1x8xf32>
    %slice3A = vector.extract_strided_slice %convert_element_type3A_26 {offsets = [0, 0], sizes = [1024, 8], strides = [1, 1]} : vector<4096x8xf32> to vector<1024x8xf32>
    %dot_general3A_33 = arith.constant dense<0.000000e+00> : vector<1024x8xf32>
    %dot_general3A_34 = tpu.matmul %convert_element_type3A_30, %slice3A, %dot_general3A_33 {dimension_numbers = #tpu.dot_dimension_numbers<[1], [0], [0], [1], [0, 0, 1, 1], [], []>, transpose_lhs_hint = false} : vector<1024x1024xf32>, vector<1024x8xf32>, vector<1024x8xf32> -> vector<1024x8xf32>
    %add3A_35 = vector.broadcast %broadcast_in_dim3A_32 : vector<1x8xf32> to vector<1024x8xf32>
    %add3A_36 = arith.addf %dot_general3A_34, %add3A_35 : vector<1024x8xf32>
    %slice3A_37 = vector.extract_strided_slice %add3A_36 {offsets = [1023, 0], sizes = [1, 8], strides = [1, 1]} : vector<1024x8xf32> to vector<1x8xf32>
    %mul3A = arith.mulf %add3A_36, %slice3A : vector<1024x8xf32>
    %reduce_sum3A_38 = arith.constant dense<0.000000e+00> : vector<1024xf32>
    %reduce_sum3A_39 = vector.multi_reduction <add>, %mul3A, %reduce_sum3A_38 [1] : vector<1024x8xf32> to vector<1024xf32>
    %broadcast_in_dim3A_40 = vector.shape_cast %reduce_sum3A_39 : vector<1024xf32> to vector<1024x1xf32>
    %sub3A_41 = arith.constant 1.000000e+00 : f32
    %sub3A_42 = vector.broadcast %sub3A_41 : f32 to vector<1024x1xf32>
    %sub3A_43 = arith.subf %broadcast_in_dim3A_40, %sub3A_42 : vector<1024x1xf32>
    %slice3A_44 = vector.extract_strided_slice %convert_element_type3A_26 {offsets = [1024, 0], sizes = [1024, 8], strides = [1, 1]} : vector<4096x8xf32> to vector<1024x8xf32>
    %dot_general3A_45 = arith.constant dense<0.000000e+00> : vector<1024x8xf32>
    %dot_general3A_46 = tpu.matmul %convert_element_type3A_30, %slice3A_44, %dot_general3A_45 {dimension_numbers = #tpu.dot_dimension_numbers<[1], [0], [0], [1], [0, 0, 1, 1], [], []>, transpose_lhs_hint = false} : vector<1024x1024xf32>, vector<1024x8xf32>, vector<1024x8xf32> -> vector<1024x8xf32>
    %add3A_47 = vector.broadcast %slice3A_37 : vector<1x8xf32> to vector<1024x8xf32>
    %add3A_48 = arith.addf %dot_general3A_46, %add3A_47 : vector<1024x8xf32>
    %slice3A_49 = vector.extract_strided_slice %add3A_48 {offsets = [1023, 0], sizes = [1, 8], strides = [1, 1]} : vector<1024x8xf32> to vector<1x8xf32>
    %mul3A_50 = arith.mulf %add3A_48, %slice3A_44 : vector<1024x8xf32>
    %reduce_sum3A_51 = arith.constant dense<0.000000e+00> : vector<1024xf32>
    %reduce_sum3A_52 = vector.multi_reduction <add>, %mul3A_50, %reduce_sum3A_51 [1] : vector<1024x8xf32> to vector<1024xf32>
    %broadcast_in_dim3A_53 = vector.shape_cast %reduce_sum3A_52 : vector<1024xf32> to vector<1024x1xf32>
    %sub3A_54 = arith.constant 1.000000e+00 : f32
    %sub3A_55 = vector.broadcast %sub3A_54 : f32 to vector<1024x1xf32>
    %sub3A_56 = arith.subf %broadcast_in_dim3A_53, %sub3A_55 : vector<1024x1xf32>
    %slice3A_57 = vector.extract_strided_slice %convert_element_type3A_26 {offsets = [2048, 0], sizes = [1024, 8], strides = [1, 1]} : vector<4096x8xf32> to vector<1024x8xf32>
    %dot_general3A_58 = arith.constant dense<0.000000e+00> : vector<1024x8xf32>
    %dot_general3A_59 = tpu.matmul %convert_element_type3A_30, %slice3A_57, %dot_general3A_58 {dimension_numbers = #tpu.dot_dimension_numbers<[1], [0], [0], [1], [0, 0, 1, 1], [], []>, transpose_lhs_hint = false} : vector<1024x1024xf32>, vector<1024x8xf32>, vector<1024x8xf32> -> vector<1024x8xf32>
    %add3A_60 = vector.broadcast %slice3A_49 : vector<1x8xf32> to vector<1024x8xf32>
    %add3A_61 = arith.addf %dot_general3A_59, %add3A_60 : vector<1024x8xf32>
    %slice3A_62 = vector.extract_strided_slice %add3A_61 {offsets = [1023, 0], sizes = [1, 8], strides = [1, 1]} : vector<1024x8xf32> to vector<1x8xf32>
    %mul3A_63 = arith.mulf %add3A_61, %slice3A_57 : vector<1024x8xf32>
    %reduce_sum3A_64 = arith.constant dense<0.000000e+00> : vector<1024xf32>
    %reduce_sum3A_65 = vector.multi_reduction <add>, %mul3A_63, %reduce_sum3A_64 [1] : vector<1024x8xf32> to vector<1024xf32>
    %broadcast_in_dim3A_66 = vector.shape_cast %reduce_sum3A_65 : vector<1024xf32> to vector<1024x1xf32>
    %sub3A_67 = arith.constant 1.000000e+00 : f32
    %sub3A_68 = vector.broadcast %sub3A_67 : f32 to vector<1024x1xf32>
    %sub3A_69 = arith.subf %broadcast_in_dim3A_66, %sub3A_68 : vector<1024x1xf32>
    %slice3A_70 = vector.extract_strided_slice %convert_element_type3A_26 {offsets = [3072, 0], sizes = [1024, 8], strides = [1, 1]} : vector<4096x8xf32> to vector<1024x8xf32>
    %dot_general3A_71 = arith.constant dense<0.000000e+00> : vector<1024x8xf32>
    %dot_general3A_72 = tpu.matmul %convert_element_type3A_30, %slice3A_70, %dot_general3A_71 {dimension_numbers = #tpu.dot_dimension_numbers<[1], [0], [0], [1], [0, 0, 1, 1], [], []>, transpose_lhs_hint = false} : vector<1024x1024xf32>, vector<1024x8xf32>, vector<1024x8xf32> -> vector<1024x8xf32>
    %add3A_73 = vector.broadcast %slice3A_62 : vector<1x8xf32> to vector<1024x8xf32>
    %add3A_74 = arith.addf %dot_general3A_72, %add3A_73 : vector<1024x8xf32>
    %mul3A_75 = arith.mulf %add3A_74, %slice3A_70 : vector<1024x8xf32>
    %reduce_sum3A_76 = arith.constant dense<0.000000e+00> : vector<1024xf32>
    %reduce_sum3A_77 = vector.multi_reduction <add>, %mul3A_75, %reduce_sum3A_76 [1] : vector<1024x8xf32> to vector<1024xf32>
    %broadcast_in_dim3A_78 = vector.shape_cast %reduce_sum3A_77 : vector<1024xf32> to vector<1024x1xf32>
    %sub3A_79 = arith.constant 1.000000e+00 : f32
    %sub3A_80 = vector.broadcast %sub3A_79 : f32 to vector<1024x1xf32>
    %sub3A_81 = arith.subf %broadcast_in_dim3A_78, %sub3A_80 : vector<1024x1xf32>
    %concatenate3A = tpu.concatenate %sub3A_43, %sub3A_56, %sub3A_69, %sub3A_81 in 0 : vector<1024x1xf32>, vector<1024x1xf32>, vector<1024x1xf32>, vector<1024x1xf32> -> vector<4096x1xf32>
    %convert_element_type3A_82 = arith.fptosi %concatenate3A : vector<4096x1xf32> to vector<4096x1xi32>
    %lt3A = arith.constant 512 : i32
    %lt3A_83 = vector.broadcast %lt3A : i32 to vector<4096x1xi32>
    %lt3A_84 = arith.cmpi slt, %convert_element_type3A_82, %lt3A_83 : vector<4096x1xi32>
    %iota3A_85 = tpu.iota {dimensions = array<i32: 0>} : vector<4096x1xi32>
    %mul3A_86 = arith.constant 512 : i32
    %mul3A_87 = vector.broadcast %mul3A_86 : i32 to vector<4096x1xi32>
    %mul3A_88 = arith.muli %broadcast_in_dim3A_23, %mul3A_87 : vector<4096x1xi32>
    %add3A_89 = arith.addi %mul3A_88, %convert_element_type3A_82 : vector<4096x1xi32>
    %add3A_90 = arith.constant 4096 : i32
    %add3A_91 = vector.broadcast %add3A_90 : i32 to vector<4096x1xi32>
    %add3A_92 = arith.addi %add3A_91, %iota3A_85 : vector<4096x1xi32>
    %select_n3A_93 = arith.select %lt3A_84, %add3A_89, %add3A_92 : vector<4096x1xi1>, vector<4096x1xi32>
    %reshape3A = vector.shape_cast %select_n3A_93 : vector<4096x1xi32> to vector<32x128xi32>
    %swap3A = arith.constant 0 : index
    %swap3A_94 = arith.constant 0 : index
    %swap3A_95 = vector.load %arg4[%swap3A, %swap3A_94] : memref<32x128xi32, #tpu.memory_space<vmem>>, vector<32x128xi32>
    tpu.vector_store %arg4[%swap3A, %swap3A_94], %reshape3A {strides = array<i32>} : memref<32x128xi32, #tpu.memory_space<vmem>>, vector<32x128xi32>,
    %jit3A_96 = arith.constant 0 : i32
    %broadcast_in_dim3A_97 = vector.broadcast %jit3A_96 : i32 to vector<4096x1xi32>
    %select_n3A_98 = arith.select %lt3A_84, %add3A_89, %broadcast_in_dim3A_97 : vector<4096x1xi1>, vector<4096x1xi32>
    %reshape3A_99 = vector.shape_cast %select_n3A_98 : vector<4096x1xi32> to vector<32x128xi32>
    %swap3A_100 = arith.constant 0 : index
    %swap3A_101 = arith.constant 0 : index
    %swap3A_102 = vector.load %arg5[%swap3A_100, %swap3A_101] : memref<32x128xi32, #tpu.memory_space<vmem>>, vector<32x128xi32>
    tpu.vector_store %arg5[%swap3A_100, %swap3A_101], %reshape3A_99 {strides = array<i32>} : memref<32x128xi32, #tpu.memory_space<vmem>>, vector<32x128xi32>,
    %jit3A_103 = arith.constant 0.000000e+00 : f32
    %broadcast_in_dim3A_104 = vector.broadcast %jit3A_103 : f32 to vector<4096x1xf32>
    %select_n3A_105 = arith.select %lt3A_84, %div3A_19, %broadcast_in_dim3A_104 : vector<4096x1xi1>, vector<4096x1xf32>
    %swap3A_106 = arith.constant 0 : index
    %swap3A_107 = arith.constant 0 : index
    %swap3A_108 = vector.load %arg6[%swap3A_106, %swap3A_107] : memref<4096x1xf32, #tpu.memory_space<vmem>>, vector<4096x1xf32>
    tpu.vector_store %arg6[%swap3A_106, %swap3A_107], %select_n3A_105 {strides = array<i32>} : memref<4096x1xf32, #tpu.memory_space<vmem>>, vector<4096x1xf32>,
    return
  }
}

</mosaic_0001>

<sc_bundles>
// kernel: kernel.10.cloned.1.call-start
scs
__scs_entry_jumppad:
0x0: {  	(pc) =	sbr.rel $0x88, $3  }
0x1: {  	(tag) =	ssettag $0x0;
	lr =	simm.s32 $0x1  }
0x2: {  	[smem:$0x3F97] =	sst lr;
	_ =	strace $0xD0000000  }
0x3: {  	_ = 	snop  }
0x4: {  	_ = 	snop  }
0x5: {  	_ = 	snop  }
0x6: {  	_ = 	snop  }
0x7: {  	_ = 	snop  }
__scs_overlays_trampoline_lowered:
0x8: {  	[smem:$0x3FA6] =	sst s0  }
0x9: {  	[smem:$0x3FA7] =	sst s1  }
0xa: {  	[smem:$0x3FA8] =	sst s2  }
0xb: {  	[smem:$0x3FA9] =	sst s3  }
0xc: {  	[smem:$0x3FAA] =	sst s4  }
0xd: {  	[smem:$0x3FAB] =	sst s5  }
0xe: {  	[smem:$0x3FAC] =	sst s6  }
0xf: {  	[smem:$0x3FAD] =	sst s7  }
0x10: {  	[smem:$0x3FAE] =	sst s8  }
0x11: {  	[smem:$0x3FAF] =	sst s9;
	s0 =	simm.s32 @!p0 $0x0  }
0x12: {  	s1 =	sld [smem:$0x3F95];
	s0 =	simm.s32 @p0 $0x1  }
0x13: {  	[smem:$0x3FB0] =	sst s0;
	s0 =	simm.s32 @!p1 $0x0  }
0x14: {  	s2 =	sld [smem:$0x3F94];
	s0 =	simm.s32 @p1 $0x1  }
0x15: {  	[smem:$0x3FB1] =	sst s0;
	s0 =	simm.s32 @!p2 $0x0  }
0x16: {  	s3 =	sld [smem:$0x3FDB];
	s0 =	simm.s32 @p2 $0x1  }
0x17: {  	s4 =	simm.s32 $0x1BF5;
	[smem:$0x3FB3] =	sst s0  }
0x18: {  	s0 =	sld [smem:$0x3F96];
	_ =	swait.ge [sflag:s4], $0x0  }
0x19: {  	s7 =	sld [smem:$0x3F97]  }
0x1a: {  	s8 =	sadd.s32 $0xFFFFE003, lr  }
0x1b: {  	s9 =	sadd.s32 $0xFFFFFEF7, lr;
	s5 =	simm.s32 $0xFFFFFFFF;
	p2 =	slt.u32 s8, $0xFFFFF086  }
0x1c: {  	p1 =	slt.u32 s9, $0xF7A;
	s5 =	simm.s32 @!p2 $0x0  }
0x1d: {  	s5 =	simm.s32 @p1 $0x1;
	p0 =	seq.s32 s7, s2  }
0x1e: {  	s7 =	smul.u32 @!p0 $0xF7A, s2;
	p2 =	seq.s32 @!p0 s5, $0x0  }
0x1f: {  	s9 =	smul.u32 $0xF7A, s1;
	s8 =	simm.s32 @!p0 $0x1BF5;
	p2 =	por !p2, p0  }
0x20: {  	[sflag:s8] =	ssyncset.s32 @!p0 $0xFFFFF086;
	s6 =	sadd.s32 @!p0 s3, s7;
	s7 =	simm.s32 @!p0 $0x108  }
0x21: {  	s3 =	sadd.s32 s3, s9;
	s6 =	sadd.s32 @!p0 $0x88, s6;
	s7 =	simm.s32 @p2 $0x1082  }
0x22: {  	[simem:s7], [sflag:s8] =	dma.local @!p0 [hbm:s6], $0xF7A  }
0x23: {  	s9 =	sor.u32 $0xD0000000, s2;
	s6 =	simm.s32 $0x108;
	_ =	swait.ge @!p0 [sflag:s8], $0x0  }
0x24: {  	s3 =	sadd.s32 $0x88, s3;
	s6 =	simm.s32 @!p1 $0x1082;
	[sflag:s4] =	ssyncset.s32 $0xFFFFF086  }
0x25: {  	[simem:s6], [sflag:s4] =	dma.local [hbm:s3], $0xF7A  }
0x26: {  	[smem:$0x3F97] =	sst s1;
	(tag) =	ssettag s2;
	_ =	strace s9  }
0x27: {  	s1 =	sld [smem:$0x3FA7]  }
0x28: {  	s2 =	sld [smem:$0x3FA8]  }
0x29: {  	s4 =	sld [smem:$0x3FAA]  }
0x2a: {  	p0 =	seq.s32 s5, $0x0;
	s5 =	sld [smem:$0x3FAB]  }
0x2b: {  	s6 =	sld [smem:$0x3FAC]  }
0x2c: {  	s7 =	sld [smem:$0x3FAD]  }
0x2d: {  	s3 =	simm.s32 $0x108;
	s8 =	sld [smem:$0x3FAE]  }
0x2e: {  	s3 =	simm.s32 @!p0 $0x1082;
	s9 =	sld [smem:$0x3FAF]  }
0x2f: {  	lr =	sadd.s32 s0, s3;
	s0 =	sld [smem:$0x3FA6]  }
0x30: {  	s3 =	sld [smem:$0x3FA9]  }
0x31: {  	[smem:$0x3FB2] =	sst s10  }
0x32: {  	s10 =	sld [smem:$0x3FB0];
	_ =	sdelay $0x3  }
0x33: {  	p0 =	seq.s32 s10, $0x1;
	s10 =	sld [smem:$0x3FB2];
	_ =	sdelay $0x3  }
0x34: {  	[smem:$0x3FB2] =	sst s10  }
0x35: {  	s10 =	sld [smem:$0x3FB1];
	_ =	sdelay $0x3  }
0x36: {  	p1 =	seq.s32 s10, $0x1;
	s10 =	sld [smem:$0x3FB2];
	_ =	sdelay $0x3  }
0x37: {  	[smem:$0x3FB2] =	sst s10  }
0x38: {  	s10 =	sld [smem:$0x3FB3]  }
0x39: {  	_ = 	snop;
	(pc) =	sbr.ind lr, $3  }
0x3a: {  	_ = 	snop  }
0x3b: {  	_ = 	snop  }
0x3c: {  	p2 =	seq.s32 s10, $0x1;
	s10 =	sld [smem:$0x3FB2]  }
0x3d: {  	_ =	shalt  }
0x3e: {  	_ =	shalt  }
0x3f: {  	_ =	shalt  }
0x40: {  	_ =	shalt  }
0x41: {  	_ =	shalt  }
0x42: {  	_ =	shalt  }
0x43: {  	_ =	shalt  }
0x44: {  	_ =	shalt  }
0x45: {  	_ =	shalt  }
0x46: {  	_ =	shalt  }
0x47: {  	_ =	shalt  }
0x48: {  	_ =	shalt  }
0x49: {  	_ =	shalt  }
0x4a: {  	_ =	shalt  }
0x4b: {  	_ =	shalt  }
0x4c: {  	_ =	shalt  }
0x4d: {  	_ =	shalt  }
0x4e: {  	_ =	shalt  }
0x4f: {  	_ =	shalt  }
0x50: {  	_ =	shalt  }
0x51: {  	_ =	shalt  }
0x52: {  	_ =	shalt  }
0x53: {  	_ =	shalt  }
0x54: {  	_ =	shalt  }
0x55: {  	_ =	shalt  }
0x56: {  	_ =	shalt  }
0x57: {  	_ =	shalt  }
0x58: {  	_ =	shalt  }
0x59: {  	_ =	shalt  }
0x5a: {  	_ =	shalt  }
0x5b: {  	_ =	shalt  }
0x5c: {  	_ =	shalt  }
0x5d: {  	_ =	shalt  }
0x5e: {  	_ =	shalt  }
0x5f: {  	_ =	shalt  }
0x60: {  	_ =	shalt  }
0x61: {  	_ =	shalt  }
0x62: {  	_ =	shalt  }
0x63: {  	_ =	shalt  }
0x64: {  	_ =	shalt  }
0x65: {  	_ =	shalt  }
0x66: {  	_ =	shalt  }
0x67: {  	_ =	shalt  }
0x68: {  	_ =	shalt  }
0x69: {  	_ =	shalt  }
0x6a: {  	_ =	shalt  }
0x6b: {  	_ =	shalt  }
0x6c: {  	_ =	shalt  }
0x6d: {  	_ =	shalt  }
0x6e: {  	_ =	shalt  }
0x6f: {  	_ =	shalt  }
0x70: {  	_ =	shalt  }
0x71: {  	_ =	shalt  }
0x72: {  	_ =	shalt  }
0x73: {  	_ =	shalt  }
0x74: {  	_ =	shalt  }
0x75: {  	_ =	shalt  }
0x76: {  	_ =	shalt  }
0x77: {  	_ =	shalt  }
0x78: {  	_ =	shalt  }
0x79: {  	_ =	shalt  }
0x7a: {  	_ =	shalt  }
0x7b: {  	_ =	shalt  }
0x7c: {  	_ =	shalt  }
0x7d: {  	_ =	shalt  }
0x7e: {  	_ =	shalt  }
0x7f: {  	_ =	shalt  }
0x80: {  	_ =	shalt  }
0x81: {  	_ =	shalt  }
0x82: {  	_ =	shalt  }
0x83: {  	_ =	shalt  }
0x84: {  	_ =	shalt  }
0x85: {  	_ =	shalt  }
0x86: {  	_ =	shalt  }
0x87: {  	_ =	shalt  }
.Lfunc_end0:
.L_simem_size_0:
called_computation.1_lowered:
.L_overlay_start_0:
0x88: {  	s2 =	sld [smem:$0x3FD9]  }
0x89: {  	s3 =	sld [smem:$0x3FFE];
	_ =	sdelay $0x1  }
0x8a: {  	s1 =	srdreg.scid  }
0x8b: {  	s0 =	sand.u32 $0x1, s1  }
0x8c: {  	s17 =	sshll.u32 s0, $0xA;
	s2 =	sadd.s32 s3, s2  }
0x8d: {  	s2 =	sadd.s32 s2, s17  }
0x8e: {  	[smem:$0x3FBE] =	sst s2  }
0x8f: {  	_ = 	snop  }
0x90: {  	s2 =	sld [smem:$0x3FD0];
	(tm) =	ssettm $0x1  }
0x91: {  	s18 =	sld [smem:$0x3FFB];
	_ =	sdelay $0x3  }
0x92: {  	_ =	strace s18  }
0x93: {  	s3 =	sld [smem:$0x3FFC];
	_ =	sdelay $0x3  }
0x94: {  	_ =	strace s3  }
0x95: {  	s3 =	sld [smem:$0x3FFD];
	_ =	sdelay $0x3  }
0x96: {  	_ =	strace s3  }
0x97: {  	_ =	strace $0x8FFFFFFF  }
0x98: {  	s19 =	sld [smem:$0x3FDB];
	_ =	sdelay $0x1  }
0x99: {  	s4 =	simm.s32 $_scs_section_size  }
0x9a: {  	s5 =	simm.s32 $_size__tile_overlayer_lowered;
	s6 =	simm.s32 $_tile_overlayer_lowered  }
0x9b: {  	s22 =	simm.s32 $0x1BFF;
	s21 =	sshll.u32 s6, $0x1;
	s3 =	sadd.s32 s4, s19  }
0x9c: {  	s7 =	simm.s32 $0x0;
	s20 =	sshll.u32 s5, $0x1;
	s5 =	sadd.s32 s21, s3  }
0x9d: {  	[timem:s7], [sflag:s22] =	dma.local [hbm:s5], s20  }
0x9e: {  	_ =	swait.ge [sflag:s22], s20  }
0x9f: {  	s4 =	ssub.s32 $0x0, s20;
	[sflag:s22] =	ssyncset.done $0x0  }
0xa0: {  	[sflag:s22] =	ssyncadd.s32 s4;
	_ =	sdelay $0x1  }
0xa1: {  	s23 =	simm.s32 $0x1B8B  }
0xa2: {  	_ =	swait.ge [sflag:s23], $0x1  }
0xa3: {  	[sflag:s23] =	ssyncset.done $0x0  }
0xa4: {  	s25 =	simm.s32 $0x1B8E;
	s24 =	sld [smem:$0x3FFE];
	[sflag:s23] =	ssyncadd.s32 $0xFFFFFFFF  }
0xa5: {  	s26 =	simm.s32 $execute0_lowered;
	[smem:$0x3FD2] =	sst s25  }
0xa6: {  	s5 =	sshll.u32 s26, $0x1;
	_ =	strace $0x80000049;
	[dreg:$0x1] =	wrdreg $0xFFFFFFFF  }
0xa7: {  	s28 =	simm.s32 $_size_execute0_lowered;
	s3 =	sadd.s32 s3, s5;
	[dreg:$0x0] =	wrdreg $0x0  }
0xa8: {  	s5 =	sshll.u32 s28, $0x1;
	[dreg:$0x2] =	wrdreg s3  }
0xa9: {  	[dreg:$0x3] =	wrdreg s5  }
0xaa: {  	[dreg:$0x4] =	wrdreg $0xC0  }
0xab: {  	_ =	task [dreg:s7], $0x5FFFF  }
0xac: {  	[dreg:$0x1] =	wrdreg $0xFFFFFFFF  }
0xad: {  	[dreg:$0x0] =	wrdreg $0x60  }
0xae: {  	[dreg:$0x2] =	wrdreg s2  }
0xaf: {  	[dreg:$0x3] =	wrdreg s24  }
0xb0: {  	[dreg:$0x4] =	wrdreg $0x9  }
0xb1: {  	_ =	task.clear_ibuf [dreg:s7], $0x5FFFF;
	_ =	strace $0x90000049  }
0xb2: {  	s29 =	simm.s32 $0x9;
	_ =	strace $0x8000004B  }
0xb3: {  	_ =	swait.ge [sflag:s29], $0x1  }
0xb4: {  	[sflag:s29] =	ssyncadd.s32 $0xFFFFFFFF  }
0xb5: {  	_ =	strace $0x9000004B  }
0xb6: {  	_ =	sfence  }
0xb7: {  	s30 =	sld [smem:$0x0];
	_ =	sdelay $0x2  }
0xb8: {  	s31 =	sshll.u32 s1, $0xD;
	s1 =	sshrl.u32 s1, $0x2  }
0xb9: {  	s3 =	sand.u32 $0x4000, s31;
	s1 =	sadd.s32 s1, s30  }
0xba: {  	s0 =	sor.u32 s3, s0;
	s1 =	sshll.u32 s1, $0x11  }
0xbb: {  	s0 =	sor.u32 s1, s0  }
0xbc: {  	s0 =	sadd.s32 $0x8F2B, s0  }
0xbd: {  	[sflag:s0] =	ssyncadd.remote.s32 $0x1  }
0xbe: {  	_ =	sfence.sel $0xFFFF  }
0xbf: {  	[dreg:$0x0] =	wrdreg $0xFFFFFFFF;
	(pc) =	sbr.abs _section_cstart, $3  }
0xc0: {  	[dreg:$0x1] =	wrdreg $0xFFFFFFFF  }
0xc1: {  	_ =	task.clear_ibuf [dreg:s7], $0x2FFFF;
	_ =	strace $0x9FFFFFFF  }
0xc2: {  	(tm) =	ssettm $0x7FFFFFFF  }
0xc3: {  	_ =	shalt  }
tec
execute0_lowered:
.L_overlay_start_1:
0x0: {  	(tag) =	ssettag $0x1  }
0x1: {  	s1 =	srdreg.scid  }
0x2: {  	s0 =	stileid.u32;
	s1 =	sand.u32 $0x1, s1  }
0x3: {  	s2 =	rddreg [dreg:$0x0];
	s3 =	sshll.u32 s0, $0x5;
	s4 =	sshll.u32 s1, $0x4  }
0x4: {  	s5 =	rddreg [dreg:$0x1];
	s4 =	sor.u32 s4, s3;
	s3 =	simm.s32 $0x0  }
0x5: {  	s25 =	simm.s32 $0x880;
	[smem:$0x7FF] =	sst s3  }
0x6: {  	s26 =	simm.s32 $0x1080;
	_ =	strace $0x8000004A;
	[dreg:$0x5] =	wrdreg s25  }
0x7: {  	s0 =	simm.s32 $0x1880;
	[dreg:$0x6] =	wrdreg s26  }
0x8: {  	s7 =	simm.s32 $0x3080;
	[dreg:$0x7] =	wrdreg s0  }
0x9: {  	s8 =	simm.s32 $0x3880;
	[dreg:$0xa] =	wrdreg s7  }
0xa: {  	s9 =	simm.s32 $0x4080;
	[dreg:$0xb] =	wrdreg s8  }
0xb: {  	s10 =	simm.s32 $0x4880;
	[dreg:$0xc] =	wrdreg s9  }
0xc: {  	s11 =	simm.s32 $0x5080;
	[dreg:$0xd] =	wrdreg s10  }
0xd: {  	s12 =	simm.s32 $0x5880;
	s13 =	simm.s32 $0x6080;
	[dreg:$0xe] =	wrdreg s11  }
0xe: {  	s14 =	simm.s32 $0x6880;
	s15 =	simm.s32 $0x7080;
	[dreg:$0xf] =	wrdreg s12  }
0xf: {  	s16 =	simm.s32 $0x7880;
	s17 =	simm.s32 $0x8080;
	[dreg:$0x10] =	wrdreg s13  }
0x10: {  	s18 =	simm.s32 $0x8880;
	s19 =	simm.s32 $0x9080;
	[dreg:$0x11] =	wrdreg s14  }
0x11: {  	s21 =	simm.s32 $0x9880;
	s22 =	simm.s32 $0xA080;
	[dreg:$0x12] =	wrdreg s15  }
0x12: {  	s23 =	simm.s32 $0xA880;
	s28 =	simm.s32 $0x16080;
	[dreg:$0x13] =	wrdreg s16  }
0x13: {  	s29 =	simm.s32 $0x16880;
	s30 =	simm.s32 $0x17080;
	[dreg:$0x14] =	wrdreg s17  }
0x14: {  	s31 =	simm.s32 $0x17880;
	s1 =	ssub.s32 $0x2, s1;
	[dreg:$0x15] =	wrdreg s18  }
0x15: {  	s20 =	sshrl.u32 s1, $0x1;
	s6 =	smul.u32 $0x300, s4;
	[dreg:$0x16] =	wrdreg s19  }
0x16: {  	s4 =	sadd.s32 s4, s5;
	s1 =	ssub.s32 s1, s20;
	[dreg:$0x17] =	wrdreg s21  }
0x17: {  	s20 =	simm.s32 $0x12880;
	s4 =	sadd.s32 $0x2000, s4;
	[dreg:$0x18] =	wrdreg s22  }
0x18: {  	[dreg:$0x19] =	wrdreg s23;
	s7 =	simm.s32 $0xB080;
	s25 =	simm.s32 $0xC080  }
0x19: {  	s8 =	simm.s32 $0x80;
	s26 =	simm.s32 $0xC880;
	s10 =	simm.s32 $0xD880  }
0x1a: {  	s11 =	simm.s32 $0xE080;
	s12 =	simm.s32 $0xE880;
	s13 =	simm.s32 $0xF080  }
0x1b: {  	s14 =	simm.s32 $0xF880;
	s15 =	simm.s32 $0x10080;
	s16 =	simm.s32 $0x10880  }
0x1c: {  	s17 =	simm.s32 $0x11080;
	s18 =	simm.s32 $0x11880;
	s19 =	simm.s32 $0x12080  }
0x1d: {  	s21 =	simm.s32 $0x13080;
	s22 =	simm.s32 $0x13880;
	[dreg:$0x3] =	wrdreg s4  }
0x1e: {  	s23 =	simm.s32 $0x14080;
	s5 =	sadd.s32 s6, s5;
	[dreg:$0x1a] =	wrdreg s7  }
0x1f: {  	s6 =	simm.s32 $0x2880;
	s4 =	sadd.s32 $0x100, s2;
	[dreg:$0x1c] =	wrdreg s25  }
0x20: {  	s7 =	simm.s32 $0x2;
	[dreg:$0x1d] =	wrdreg s26;
	s25 =	simm.s32 $0x15080  }
0x21: {  	s26 =	simm.s32 $0x15880;
	s24 =	sadd.s32 $0x2200, s5;
	[dreg:$0x9] =	wrdreg s6  }
0x22: {  	v2 =	vlaneseq.u32;
	s5 =	simm.s32 $0x2080;
	s6 =	smax.u32 s1, $0x1;
	[dreg:$0x4] =	wrdreg s24  }
0x23: {  	vm0 =	vmmov $0xffff;
	v1 =	vshrl.u32 v2, $0x3;
	s1 =	simm.s32 $0x1;
	[dreg:$0x8] =	wrdreg s5;
	s24 =	simm.s32 $0xB880  }
0x24: {  	v0 =	vand.u32 $0x7, v2;
	v2 =	vor.u32 $0x8, v2;
	v1 =	vmul.u32 $0x8, v1;
	s5 =	sadd.s32 $0x200, s2;
	[dreg:$0x1b] =	wrdreg s24;
	s24 =	simm.s32 $0x14880  }
.LBB2_1:
0x25: {  	s0 =	rddreg [dreg:$0x3]  }
0x26: {  	[tilespmem:s3], [sflag:$0x2] =	stream.linear.gather [hbm4b:s0+s3], $0x80, $0x38;
	[tilespmem:$0x18080] =	vst v63  }
0x27: {  	_ =	swait.ge [sflag:s7], $0x80  }
0x28: {  	[sflag:s7] =	ssyncset.done $0x0  }
0x29: {  	[sflag:s7] =	ssyncadd.s32 $0xFFFFFF80  }
0x2a: {  	v3 =	vld [tilespmem:$0x0];
	_ =	sdelay $0x4  }
0x2b: {  	v4 =	vshrl.u32 v3, $0x3  }
0x2c: {  	v4 =	vmul.u32 $0x30, v4  }
0x2d: {  	v3 =	vand.u32 $0x7, v3  }
0x2e: {  	v3 =	vor.u32 v3, v4  }
0x2f: {  	v4 =	vperm.xlane v3, v0;
	_ =	sdelay $0x1  }
0x30: {  	v4 =	vadd.s32 v1, v4;
	_ =	sdelay $0x3  }
0x31: {  	v3 =	vperm.xlane v3, v2  }
0x32: {  	[tilespmem:s8], [sflag:$0x1] =	stream.indirect_vreg.gather [hbm4b:s2+s3], $0x80, v4, vm0, $0xb8;
	[tilespmem:$0x18080] =	vst v63  }
0x33: {  	s0 =	rddreg [dreg:$0x5];
	v3 =	vadd.s32 v1, v3  }
0x34: {  	[tilespmem:s0], [sflag:$0x1] =	stream.indirect_vreg.gather [hbm4b:s4+s3], $0x80, v4, vm0, $0xb8;
	[tilespmem:$0x18080] =	vst v63  }
0x35: {  	s9 =	rddreg [dreg:$0x6]  }
0x36: {  	[tilespmem:s9], [sflag:$0x1] =	stream.indirect_vreg.gather [hbm4b:s5+s3], $0x80, v4, vm0, $0xb8;
	[tilespmem:$0x18080] =	vst v63  }
0x37: {  	s0 =	rddreg [dreg:$0x7]  }
0x38: {  	[tilespmem:s0], [sflag:$0x1] =	stream.indirect_vreg.gather [hbm4b:s2+s3], $0x80, v3, vm0, $0xb8;
	[tilespmem:$0x18080] =	vst v63  }
0x39: {  	s9 =	rddreg [dreg:$0x8]  }
0x3a: {  	[tilespmem:s9], [sflag:$0x1] =	stream.indirect_vreg.gather [hbm4b:s4+s3], $0x80, v3, vm0, $0xb8;
	[tilespmem:$0x18080] =	vst v63  }
0x3b: {  	s0 =	rddreg [dreg:$0x9]  }
0x3c: {  	[tilespmem:s0], [sflag:$0x1] =	stream.indirect_vreg.gather [hbm4b:s5+s3], $0x80, v3, vm0, $0xb8;
	[tilespmem:$0x18080] =	vst v63  }
0x3d: {  	v3 =	vld [tilespmem:$0x10];
	_ =	sdelay $0x4  }
0x3e: {  	v57 =	vshrl.u32 v3, $0x3  }
0x3f: {  	v4 =	vmul.u32 $0x30, v57  }
0x40: {  	v3 =	vand.u32 $0x7, v3  }
0x41: {  	v3 =	vor.u32 v3, v4  }
0x42: {  	v4 =	vperm.xlane v3, v0;
	_ =	sdelay $0x1  }
0x43: {  	v4 =	vadd.s32 v1, v4;
	_ =	sdelay $0x3  }
0x44: {  	s0 =	rddreg [dreg:$0xa];
	v3 =	vperm.xlane v3, v2  }
0x45: {  	[tilespmem:s0], [sflag:$0x1] =	stream.indirect_vreg.gather [hbm4b:s2+s3], $0x80, v4, vm0, $0xb8;
	[tilespmem:$0x18080] =	vst v63  }
0x46: {  	s9 =	rddreg [dreg:$0xb];
	v3 =	vadd.s32 v1, v3  }
0x47: {  	[tilespmem:s9], [sflag:$0x1] =	stream.indirect_vreg.gather [hbm4b:s4+s3], $0x80, v4, vm0, $0xb8;
	[tilespmem:$0x18080] =	vst v63  }
0x48: {  	s0 =	rddreg [dreg:$0xc]  }
0x49: {  	[tilespmem:s0], [sflag:$0x1] =	stream.indirect_vreg.gather [hbm4b:s5+s3], $0x80, v4, vm0, $0xb8;
	[tilespmem:$0x18080] =	vst v63  }
0x4a: {  	s9 =	rddreg [dreg:$0xd]  }
0x4b: {  	[tilespmem:s9], [sflag:$0x1] =	stream.indirect_vreg.gather [hbm4b:s2+s3], $0x80, v3, vm0, $0xb8;
	[tilespmem:$0x18080] =	vst v63  }
0x4c: {  	s0 =	rddreg [dreg:$0xe]  }
0x4d: {  	[tilespmem:s0], [sflag:$0x1] =	stream.indirect_vreg.gather [hbm4b:s4+s3], $0x80, v3, vm0, $0xb8;
	[tilespmem:$0x18080] =	vst v63  }
0x4e: {  	s9 =	rddreg [dreg:$0xf]  }
0x4f: {  	[tilespmem:s9], [sflag:$0x1] =	stream.indirect_vreg.gather [hbm4b:s5+s3], $0x80, v3, vm0, $0xb8;
	[tilespmem:$0x18080] =	vst v63  }
0x50: {  	v3 =	vld [tilespmem:$0x20];
	_ =	sdelay $0x4  }
0x51: {  	v58 =	vshrl.u32 v3, $0x3  }
0x52: {  	v4 =	vmul.u32 $0x30, v58  }
0x53: {  	v3 =	vand.u32 $0x7, v3  }
0x54: {  	v3 =	vor.u32 v3, v4  }
0x55: {  	v4 =	vperm.xlane v3, v0;
	_ =	sdelay $0x1  }
0x56: {  	v4 =	vadd.s32 v1, v4;
	_ =	sdelay $0x3  }
0x57: {  	s0 =	rddreg [dreg:$0x10];
	v3 =	vperm.xlane v3, v2  }
0x58: {  	[tilespmem:s0], [sflag:$0x1] =	stream.indirect_vreg.gather [hbm4b:s2+s3], $0x80, v4, vm0, $0xb8;
	[tilespmem:$0x18080] =	vst v63  }
0x59: {  	s9 =	rddreg [dreg:$0x11];
	v3 =	vadd.s32 v1, v3  }
0x5a: {  	[tilespmem:s9], [sflag:$0x1] =	stream.indirect_vreg.gather [hbm4b:s4+s3], $0x80, v4, vm0, $0xb8;
	[tilespmem:$0x18080] =	vst v63  }
0x5b: {  	s0 =	rddreg [dreg:$0x12]  }
0x5c: {  	[tilespmem:s0], [sflag:$0x1] =	stream.indirect_vreg.gather [hbm4b:s5+s3], $0x80, v4, vm0, $0xb8;
	[tilespmem:$0x18080] =	vst v63  }
0x5d: {  	s9 =	rddreg [dreg:$0x13]  }
0x5e: {  	[tilespmem:s9], [sflag:$0x1] =	stream.indirect_vreg.gather [hbm4b:s2+s3], $0x80, v3, vm0, $0xb8;
	[tilespmem:$0x18080] =	vst v63  }
0x5f: {  	s0 =	rddreg [dreg:$0x14]  }
0x60: {  	[tilespmem:s0], [sflag:$0x1] =	stream.indirect_vreg.gather [hbm4b:s4+s3], $0x80, v3, vm0, $0xb8;
	[tilespmem:$0x18080] =	vst v63  }
0x61: {  	s9 =	rddreg [dreg:$0x15]  }
0x62: {  	[tilespmem:s9], [sflag:$0x1] =	stream.indirect_vreg.gather [hbm4b:s5+s3], $0x80, v3, vm0, $0xb8;
	[tilespmem:$0x18080] =	vst v63  }
0x63: {  	v3 =	vld [tilespmem:$0x30];
	_ =	sdelay $0x4  }
0x64: {  	v59 =	vshrl.u32 v3, $0x3  }
0x65: {  	v4 =	vmul.u32 $0x30, v59  }
0x66: {  	v3 =	vand.u32 $0x7, v3  }
0x67: {  	v3 =	vor.u32 v3, v4  }
0x68: {  	v4 =	vperm.xlane v3, v0;
	_ =	sdelay $0x1  }
0x69: {  	v4 =	vadd.s32 v1, v4;
	_ =	sdelay $0x3  }
0x6a: {  	s0 =	rddreg [dreg:$0x16];
	v3 =	vperm.xlane v3, v2  }
0x6b: {  	[tilespmem:s0], [sflag:$0x1] =	stream.indirect_vreg.gather [hbm4b:s2+s3], $0x80, v4, vm0, $0xb8;
	[tilespmem:$0x18080] =	vst v63  }
0x6c: {  	s9 =	rddreg [dreg:$0x17];
	v3 =	vadd.s32 v1, v3  }
0x6d: {  	[tilespmem:s9], [sflag:$0x1] =	stream.indirect_vreg.gather [hbm4b:s4+s3], $0x80, v4, vm0, $0xb8;
	[tilespmem:$0x18080] =	vst v63  }
0x6e: {  	s0 =	rddreg [dreg:$0x18]  }
0x6f: {  	[tilespmem:s0], [sflag:$0x1] =	stream.indirect_vreg.gather [hbm4b:s5+s3], $0x80, v4, vm0, $0xb8;
	[tilespmem:$0x18080] =	vst v63  }
0x70: {  	s9 =	rddreg [dreg:$0x19]  }
0x71: {  	[tilespmem:s9], [sflag:$0x1] =	stream.indirect_vreg.gather [hbm4b:s2+s3], $0x80, v3, vm0, $0xb8;
	[tilespmem:$0x18080] =	vst v63  }
0x72: {  	s0 =	rddreg [dreg:$0x1a]  }
0x73: {  	[tilespmem:s0], [sflag:$0x1] =	stream.indirect_vreg.gather [hbm4b:s4+s3], $0x80, v3, vm0, $0xb8;
	[tilespmem:$0x18080] =	vst v63  }
0x74: {  	s9 =	rddreg [dreg:$0x1b]  }
0x75: {  	[tilespmem:s9], [sflag:$0x1] =	stream.indirect_vreg.gather [hbm4b:s5+s3], $0x80, v3, vm0, $0xb8;
	[tilespmem:$0x18080] =	vst v63  }
0x76: {  	v3 =	vld [tilespmem:$0x40];
	_ =	sdelay $0x4  }
0x77: {  	v60 =	vshrl.u32 v3, $0x3  }
0x78: {  	v4 =	vmul.u32 $0x30, v60  }
0x79: {  	v3 =	vand.u32 $0x7, v3  }
0x7a: {  	v3 =	vor.u32 v3, v4  }
0x7b: {  	v4 =	vperm.xlane v3, v0;
	_ =	sdelay $0x1  }
0x7c: {  	v4 =	vadd.s32 v1, v4;
	_ =	sdelay $0x3  }
0x7d: {  	s0 =	rddreg [dreg:$0x1c];
	v3 =	vperm.xlane v3, v2  }
0x7e: {  	[tilespmem:s0], [sflag:$0x1] =	stream.indirect_vreg.gather [hbm4b:s2+s3], $0x80, v4, vm0, $0xb8;
	[tilespmem:$0x18080] =	vst v63  }
0x7f: {  	s9 =	rddreg [dreg:$0x1d];
	v3 =	vadd.s32 v1, v3  }
0x80: {  	[tilespmem:s9], [sflag:$0x1] =	stream.indirect_vreg.gather [hbm4b:s4+s3], $0x80, v4, vm0, $0xb8;
	[tilespmem:$0x18080] =	vst v63  }
0x81: {  	s9 =	simm.s32 $0xD080  }
0x82: {  	[tilespmem:s9], [sflag:$0x1] =	stream.indirect_vreg.gather [hbm4b:s5+s3], $0x80, v4, vm0, $0xb8;
	[tilespmem:$0x18080] =	vst v63  }
0x83: {  	_ = 	snop  }
0x84: {  	[tilespmem:s10], [sflag:$0x1] =	stream.indirect_vreg.gather [hbm4b:s2+s3], $0x80, v3, vm0, $0xb8;
	[tilespmem:$0x18080] =	vst v63  }
0x85: {  	_ = 	snop  }
0x86: {  	[tilespmem:s11], [sflag:$0x1] =	stream.indirect_vreg.gather [hbm4b:s4+s3], $0x80, v3, vm0, $0xb8;
	[tilespmem:$0x18080] =	vst v63  }
0x87: {  	_ = 	snop  }
0x88: {  	[tilespmem:s12], [sflag:$0x1] =	stream.indirect_vreg.gather [hbm4b:s5+s3], $0x80, v3, vm0, $0xb8;
	[tilespmem:$0x18080] =	vst v63  }
0x89: {  	v3 =	vld [tilespmem:$0x50];
	_ =	sdelay $0x4  }
0x8a: {  	v61 =	vshrl.u32 v3, $0x3  }
0x8b: {  	v4 =	vmul.u32 $0x30, v61  }
0x8c: {  	v3 =	vand.u32 $0x7, v3  }
0x8d: {  	v3 =	vor.u32 v3, v4  }
0x8e: {  	v4 =	vperm.xlane v3, v0;
	_ =	sdelay $0x1  }
0x8f: {  	v4 =	vadd.s32 v1, v4;
	_ =	sdelay $0x3  }
0x90: {  	v3 =	vperm.xlane v3, v2  }
0x91: {  	[tilespmem:s13], [sflag:$0x1] =	stream.indirect_vreg.gather [hbm4b:s2+s3], $0x80, v4, vm0, $0xb8;
	[tilespmem:$0x18080] =	vst v63  }
0x92: {  	v3 =	vadd.s32 v1, v3  }
0x93: {  	[tilespmem:s14], [sflag:$0x1] =	stream.indirect_vreg.gather [hbm4b:s4+s3], $0x80, v4, vm0, $0xb8;
	[tilespmem:$0x18080] =	vst v63  }
0x94: {  	_ = 	snop  }
0x95: {  	[tilespmem:s15], [sflag:$0x1] =	stream.indirect_vreg.gather [hbm4b:s5+s3], $0x80, v4, vm0, $0xb8;
	[tilespmem:$0x18080] =	vst v63  }
0x96: {  	_ = 	snop  }
0x97: {  	[tilespmem:s16], [sflag:$0x1] =	stream.indirect_vreg.gather [hbm4b:s2+s3], $0x80, v3, vm0, $0xb8;
	[tilespmem:$0x18080] =	vst v63  }
0x98: {  	_ = 	snop  }
0x99: {  	[tilespmem:s17], [sflag:$0x1] =	stream.indirect_vreg.gather [hbm4b:s4+s3], $0x80, v3, vm0, $0xb8;
	[tilespmem:$0x18080] =	vst v63  }
0x9a: {  	_ = 	snop  }
0x9b: {  	[tilespmem:s18], [sflag:$0x1] =	stream.indirect_vreg.gather [hbm4b:s5+s3], $0x80, v3, vm0, $0xb8;
	[tilespmem:$0x18080] =	vst v63  }
0x9c: {  	v3 =	vld [tilespmem:$0x60];
	_ =	sdelay $0x4  }
0x9d: {  	v62 =	vshrl.u32 v3, $0x3  }
0x9e: {  	v4 =	vmul.u32 $0x30, v62  }
0x9f: {  	v3 =	vand.u32 $0x7, v3  }
0xa0: {  	v3 =	vor.u32 v3, v4  }
0xa1: {  	v4 =	vperm.xlane v3, v0;
	_ =	sdelay $0x1  }
0xa2: {  	v4 =	vadd.s32 v1, v4;
	_ =	sdelay $0x3  }
0xa3: {  	v3 =	vperm.xlane v3, v2  }
0xa4: {  	[tilespmem:s19], [sflag:$0x1] =	stream.indirect_vreg.gather [hbm4b:s2+s3], $0x80, v4, vm0, $0xb8;
	[tilespmem:$0x18080] =	vst v63  }
0xa5: {  	v3 =	vadd.s32 v1, v3  }
0xa6: {  	[tilespmem:s20], [sflag:$0x1] =	stream.indirect_vreg.gather [hbm4b:s4+s3], $0x80, v4, vm0, $0xb8;
	[tilespmem:$0x18080] =	vst v63  }
0xa7: {  	_ = 	snop  }
0xa8: {  	[tilespmem:s21], [sflag:$0x1] =	stream.indirect_vreg.gather [hbm4b:s5+s3], $0x80, v4, vm0, $0xb8;
	[tilespmem:$0x18080] =	vst v63  }
0xa9: {  	_ = 	snop  }
0xaa: {  	[tilespmem:s22], [sflag:$0x1] =	stream.indirect_vreg.gather [hbm4b:s2+s3], $0x80, v3, vm0, $0xb8;
	[tilespmem:$0x18080] =	vst v63  }
0xab: {  	_ = 	snop  }
0xac: {  	[tilespmem:s23], [sflag:$0x1] =	stream.indirect_vreg.gather [hbm4b:s4+s3], $0x80, v3, vm0, $0xb8;
	[tilespmem:$0x18080] =	vst v63  }
0xad: {  	_ = 	snop  }
0xae: {  	[tilespmem:s24], [sflag:$0x1] =	stream.indirect_vreg.gather [hbm4b:s5+s3], $0x80, v3, vm0, $0xb8;
	[tilespmem:$0x18080] =	vst v63  }
0xaf: {  	v3 =	vld [tilespmem:$0x70];
	_ =	sdelay $0x4  }
0xb0: {  	v63 =	vshrl.u32 v3, $0x3  }
0xb1: {  	v4 =	vmul.u32 $0x30, v63  }
0xb2: {  	v3 =	vand.u32 $0x7, v3  }
0xb3: {  	v3 =	vor.u32 v3, v4  }
0xb4: {  	v4 =	vperm.xlane v3, v0;
	_ =	sdelay $0x1  }
0xb5: {  	v4 =	vadd.s32 v1, v4;
	_ =	sdelay $0x3  }
0xb6: {  	v3 =	vperm.xlane v3, v2  }
0xb7: {  	[tilespmem:s25], [sflag:$0x1] =	stream.indirect_vreg.gather [hbm4b:s2+s3], $0x80, v4, vm0, $0xb8;
	[tilespmem:$0x18080] =	vst v63  }
0xb8: {  	v3 =	vadd.s32 v1, v3  }
0xb9: {  	[tilespmem:s26], [sflag:$0x1] =	stream.indirect_vreg.gather [hbm4b:s4+s3], $0x80, v4, vm0, $0xb8;
	[tilespmem:$0x18080] =	vst v63  }
0xba: {  	_ = 	snop  }
0xbb: {  	[tilespmem:s28], [sflag:$0x1] =	stream.indirect_vreg.gather [hbm4b:s5+s3], $0x80, v4, vm0, $0xb8;
	[tilespmem:$0x18080] =	vst v63  }
0xbc: {  	_ = 	snop  }
0xbd: {  	[tilespmem:s29], [sflag:$0x1] =	stream.indirect_vreg.gather [hbm4b:s2+s3], $0x80, v3, vm0, $0xb8;
	[tilespmem:$0x18080] =	vst v63  }
0xbe: {  	_ = 	snop  }
0xbf: {  	[tilespmem:s30], [sflag:$0x1] =	stream.indirect_vreg.gather [hbm4b:s4+s3], $0x80, v3, vm0, $0xb8;
	[tilespmem:$0x18080] =	vst v63  }
0xc0: {  	_ = 	snop  }
0xc1: {  	[tilespmem:s31], [sflag:$0x1] =	stream.indirect_vreg.gather [hbm4b:s5+s3], $0x80, v3, vm0, $0xb8;
	[tilespmem:$0x18080] =	vst v63  }
0xc2: {  	_ =	swait.ge [sflag:s1], $0x18000  }
0xc3: {  	p0 =	sne.s32 s6, $0x1;
	[sflag:s1] =	ssyncset.done $0x0  }
.Ltmp0:
0xc4: {  	s9 =	rddreg [dreg:$0x4];
	[sflag:s1] =	ssyncadd.s32 $0xFFFE8000;
	(pc) =	sbr.rel @p0 .LBB2_1-.Ltmp0, $4  }
0xc5: {  	[hbm4b:s9+s3] =	stream.linear.scatter [tilespmem:s8], [sflag:$0x2], $0x18000, $0x38;
	[tilespmem:$0x18080] =	vst v63  }
0xc6: {  	_ =	swait.ge [sflag:s7], $0x18000  }
0xc7: {  	[sflag:s7] =	ssyncset.done $0x0  }
0xc8: {  	s6 =	sadd.s32 $0xFFFFFFFF, s6;
	[sflag:s7] =	ssyncadd.s32 $0xFFFE8000  }
0xc9: {  	_ =	sfence.sel $0x180000  }
0xca: {  	[bflag:$0x0] =	sbarrier.arrive $0xFFFF  }
0xcb: {  	_ =	strace $0x9000004A  }
0xcc: {  	s0 =	stileid.u32;
	[bflag:$0x2] =	sbarrier.arrive $0xFFFF  }
0xcd: {  	p0 =	sne.s32 s0, $0x0;
	s0 =	rddreg [dreg:$0x2]  }
0xce: {  	s0 =	sadd.s32 @!p0 $0x100000, s0  }
0xcf: {  	[sflag:s0] =	ssyncadd.tile.s32 @!p0 $0x1;
	_ =	shalt  }
.Lfunc_end2:
_tile_overlayer_lowered:
.L_overlay_start_2:
0xd0: {  	(tag) =	ssettag $0x2  }
0xd1: {  	s0 =	rddreg [dreg:$0x0];
	s2 =	stileid.u32  }
0xd2: {  	s1 =	rddreg [dreg:$0x1];
	p0 =	sne.s32 s2, $0x0  }
0xd3: {  	s3 =	rddreg [dreg:$0x2];
	[bflag:$0x3] =	sbarrier.arrive $0xFFFF;
	s2 =	simm.s32 @!p0 $0x1C02  }
0xd4: {  	[timem:s3], [sflag:s2] =	dma.local @!p0 [hbm:s0], s1  }
0xd5: {  	s0 =	simm.s32 @!p0 $0x2  }
0xd6: {  	_ =	swait.ge @!p0 [sflag:s0], s1  }
0xd7: {  	s1 =	ssub.s32 @!p0 $0x0, s1;
	[sflag:s0] =	ssyncset.done @!p0 $0x0  }
0xd8: {  	[sflag:s0] =	ssyncadd.s32 @!p0 s1  }
0xd9: {  	[bflag:$0x3] =	sbarrier.arrive $0xFFFF  }
0xda: {  	_ =	shalt  }

// kernel: kernel.7.cloned.1.call-start
scs
__scs_entry_jumppad:
0x0: {  	(pc) =	sbr.rel $0x88, $3  }
0x1: {  	(tag) =	ssettag $0x0;
	lr =	simm.s32 $0x1  }
0x2: {  	[smem:$0x3F97] =	sst lr;
	_ =	strace $0xD0000000  }
0x3: {  	_ = 	snop  }
0x4: {  	_ = 	snop  }
0x5: {  	_ = 	snop  }
0x6: {  	_ = 	snop  }
0x7: {  	_ = 	snop  }
__scs_overlays_trampoline_lowered:
0x8: {  	[smem:$0x3FA6] =	sst s0  }
0x9: {  	[smem:$0x3FA7] =	sst s1  }
0xa: {  	[smem:$0x3FA8] =	sst s2  }
0xb: {  	[smem:$0x3FA9] =	sst s3  }
0xc: {  	[smem:$0x3FAA] =	sst s4  }
0xd: {  	[smem:$0x3FAB] =	sst s5  }
0xe: {  	[smem:$0x3FAC] =	sst s6  }
0xf: {  	[smem:$0x3FAD] =	sst s7  }
0x10: {  	[smem:$0x3FAE] =	sst s8  }
0x11: {  	[smem:$0x3FAF] =	sst s9;
	s0 =	simm.s32 @!p0 $0x0  }
0x12: {  	s1 =	sld [smem:$0x3F95];
	s0 =	simm.s32 @p0 $0x1  }
0x13: {  	[smem:$0x3FB0] =	sst s0;
	s0 =	simm.s32 @!p1 $0x0  }
0x14: {  	s2 =	sld [smem:$0x3F94];
	s0 =	simm.s32 @p1 $0x1  }
0x15: {  	[smem:$0x3FB1] =	sst s0;
	s0 =	simm.s32 @!p2 $0x0  }
0x16: {  	s3 =	sld [smem:$0x3FDB];
	s0 =	simm.s32 @p2 $0x1  }
0x17: {  	s4 =	simm.s32 $0x1BF5;
	[smem:$0x3FB3] =	sst s0  }
0x18: {  	s0 =	sld [smem:$0x3F96];
	_ =	swait.ge [sflag:s4], $0x0  }
0x19: {  	s7 =	sld [smem:$0x3F97]  }
0x1a: {  	s8 =	sadd.s32 $0xFFFFE003, lr  }
0x1b: {  	s9 =	sadd.s32 $0xFFFFFEF7, lr;
	s5 =	simm.s32 $0xFFFFFFFF;
	p2 =	slt.u32 s8, $0xFFFFF086  }
0x1c: {  	p1 =	slt.u32 s9, $0xF7A;
	s5 =	simm.s32 @!p2 $0x0  }
0x1d: {  	s5 =	simm.s32 @p1 $0x1;
	p0 =	seq.s32 s7, s2  }
0x1e: {  	s7 =	smul.u32 @!p0 $0xF7A, s2;
	p2 =	seq.s32 @!p0 s5, $0x0  }
0x1f: {  	s9 =	smul.u32 $0xF7A, s1;
	s8 =	simm.s32 @!p0 $0x1BF5;
	p2 =	por !p2, p0  }
0x20: {  	[sflag:s8] =	ssyncset.s32 @!p0 $0xFFFFF086;
	s6 =	sadd.s32 @!p0 s3, s7;
	s7 =	simm.s32 @!p0 $0x108  }
0x21: {  	s3 =	sadd.s32 s3, s9;
	s6 =	sadd.s32 @!p0 $0x88, s6;
	s7 =	simm.s32 @p2 $0x1082  }
0x22: {  	[simem:s7], [sflag:s8] =	dma.local @!p0 [hbm:s6], $0xF7A  }
0x23: {  	s9 =	sor.u32 $0xD0000000, s2;
	s6 =	simm.s32 $0x108;
	_ =	swait.ge @!p0 [sflag:s8], $0x0  }
0x24: {  	s3 =	sadd.s32 $0x88, s3;
	s6 =	simm.s32 @!p1 $0x1082;
	[sflag:s4] =	ssyncset.s32 $0xFFFFF086  }
0x25: {  	[simem:s6], [sflag:s4] =	dma.local [hbm:s3], $0xF7A  }
0x26: {  	[smem:$0x3F97] =	sst s1;
	(tag) =	ssettag s2;
	_ =	strace s9  }
0x27: {  	s1 =	sld [smem:$0x3FA7]  }
0x28: {  	s2 =	sld [smem:$0x3FA8]  }
0x29: {  	s4 =	sld [smem:$0x3FAA]  }
0x2a: {  	p0 =	seq.s32 s5, $0x0;
	s5 =	sld [smem:$0x3FAB]  }
0x2b: {  	s6 =	sld [smem:$0x3FAC]  }
0x2c: {  	s7 =	sld [smem:$0x3FAD]  }
0x2d: {  	s3 =	simm.s32 $0x108;
	s8 =	sld [smem:$0x3FAE]  }
0x2e: {  	s3 =	simm.s32 @!p0 $0x1082;
	s9 =	sld [smem:$0x3FAF]  }
0x2f: {  	lr =	sadd.s32 s0, s3;
	s0 =	sld [smem:$0x3FA6]  }
0x30: {  	s3 =	sld [smem:$0x3FA9]  }
0x31: {  	[smem:$0x3FB2] =	sst s10  }
0x32: {  	s10 =	sld [smem:$0x3FB0];
	_ =	sdelay $0x3  }
0x33: {  	p0 =	seq.s32 s10, $0x1;
	s10 =	sld [smem:$0x3FB2];
	_ =	sdelay $0x3  }
0x34: {  	[smem:$0x3FB2] =	sst s10  }
0x35: {  	s10 =	sld [smem:$0x3FB1];
	_ =	sdelay $0x3  }
0x36: {  	p1 =	seq.s32 s10, $0x1;
	s10 =	sld [smem:$0x3FB2];
	_ =	sdelay $0x3  }
0x37: {  	[smem:$0x3FB2] =	sst s10  }
0x38: {  	s10 =	sld [smem:$0x3FB3]  }
0x39: {  	_ = 	snop;
	(pc) =	sbr.ind lr, $3  }
0x3a: {  	_ = 	snop  }
0x3b: {  	_ = 	snop  }
0x3c: {  	p2 =	seq.s32 s10, $0x1;
	s10 =	sld [smem:$0x3FB2]  }
0x3d: {  	_ =	shalt  }
0x3e: {  	_ =	shalt  }
0x3f: {  	_ =	shalt  }
0x40: {  	_ =	shalt  }
0x41: {  	_ =	shalt  }
0x42: {  	_ =	shalt  }
0x43: {  	_ =	shalt  }
0x44: {  	_ =	shalt  }
0x45: {  	_ =	shalt  }
0x46: {  	_ =	shalt  }
0x47: {  	_ =	shalt  }
0x48: {  	_ =	shalt  }
0x49: {  	_ =	shalt  }
0x4a: {  	_ =	shalt  }
0x4b: {  	_ =	shalt  }
0x4c: {  	_ =	shalt  }
0x4d: {  	_ =	shalt  }
0x4e: {  	_ =	shalt  }
0x4f: {  	_ =	shalt  }
0x50: {  	_ =	shalt  }
0x51: {  	_ =	shalt  }
0x52: {  	_ =	shalt  }
0x53: {  	_ =	shalt  }
0x54: {  	_ =	shalt  }
0x55: {  	_ =	shalt  }
0x56: {  	_ =	shalt  }
0x57: {  	_ =	shalt  }
0x58: {  	_ =	shalt  }
0x59: {  	_ =	shalt  }
0x5a: {  	_ =	shalt  }
0x5b: {  	_ =	shalt  }
0x5c: {  	_ =	shalt  }
0x5d: {  	_ =	shalt  }
0x5e: {  	_ =	shalt  }
0x5f: {  	_ =	shalt  }
0x60: {  	_ =	shalt  }
0x61: {  	_ =	shalt  }
0x62: {  	_ =	shalt  }
0x63: {  	_ =	shalt  }
0x64: {  	_ =	shalt  }
0x65: {  	_ =	shalt  }
0x66: {  	_ =	shalt  }
0x67: {  	_ =	shalt  }
0x68: {  	_ =	shalt  }
0x69: {  	_ =	shalt  }
0x6a: {  	_ =	shalt  }
0x6b: {  	_ =	shalt  }
0x6c: {  	_ =	shalt  }
0x6d: {  	_ =	shalt  }
0x6e: {  	_ =	shalt  }
0x6f: {  	_ =	shalt  }
0x70: {  	_ =	shalt  }
0x71: {  	_ =	shalt  }
0x72: {  	_ =	shalt  }
0x73: {  	_ =	shalt  }
0x74: {  	_ =	shalt  }
0x75: {  	_ =	shalt  }
0x76: {  	_ =	shalt  }
0x77: {  	_ =	shalt  }
0x78: {  	_ =	shalt  }
0x79: {  	_ =	shalt  }
0x7a: {  	_ =	shalt  }
0x7b: {  	_ =	shalt  }
0x7c: {  	_ =	shalt  }
0x7d: {  	_ =	shalt  }
0x7e: {  	_ =	shalt  }
0x7f: {  	_ =	shalt  }
0x80: {  	_ =	shalt  }
0x81: {  	_ =	shalt  }
0x82: {  	_ =	shalt  }
0x83: {  	_ =	shalt  }
0x84: {  	_ =	shalt  }
0x85: {  	_ =	shalt  }
0x86: {  	_ =	shalt  }
0x87: {  	_ =	shalt  }
.Lfunc_end0:
.L_simem_size_0:
called_computation_lowered:
.L_overlay_start_0:
0x88: {  	s2 =	sld [smem:$0x3FD9]  }
0x89: {  	s3 =	sld [smem:$0x3FFE];
	_ =	sdelay $0x1  }
0x8a: {  	s1 =	srdreg.scid  }
0x8b: {  	s0 =	sand.u32 $0x1, s1  }
0x8c: {  	s17 =	sshll.u32 s0, $0xA;
	s2 =	sadd.s32 s3, s2  }
0x8d: {  	s2 =	sadd.s32 s2, s17  }
0x8e: {  	[smem:$0x3FBE] =	sst s2  }
0x8f: {  	_ = 	snop  }
0x90: {  	s2 =	sld [smem:$0x3FC9]  }
0x91: {  	s18 =	sld [smem:$0x3FD0];
	(tm) =	ssettm $0x1  }
0x92: {  	s4 =	sld [smem:$0x3FFB];
	_ =	sdelay $0x3  }
0x93: {  	_ =	strace s4  }
0x94: {  	s4 =	sld [smem:$0x3FFC];
	_ =	sdelay $0x3  }
0x95: {  	_ =	strace s4  }
0x96: {  	s4 =	sld [smem:$0x3FFD];
	_ =	sdelay $0x3  }
0x97: {  	_ =	strace s4  }
0x98: {  	_ =	strace $0x8FFFFFFF  }
0x99: {  	s19 =	sld [smem:$0x3FDB];
	_ =	sdelay $0x1  }
0x9a: {  	s5 =	simm.s32 $_scs_section_size  }
0x9b: {  	s6 =	simm.s32 $_size__tile_overlayer_lowered;
	s7 =	simm.s32 $_tile_overlayer_lowered  }
0x9c: {  	s22 =	simm.s32 $0x1BFF;
	s21 =	sshll.u32 s7, $0x1;
	s4 =	sadd.s32 s5, s19  }
0x9d: {  	s8 =	simm.s32 $0x0;
	s20 =	sshll.u32 s6, $0x1;
	s6 =	sadd.s32 s21, s4  }
0x9e: {  	[timem:s8], [sflag:s22] =	dma.local [hbm:s6], s20  }
0x9f: {  	_ =	swait.ge [sflag:s22], s20  }
0xa0: {  	s5 =	ssub.s32 $0x0, s20;
	[sflag:s22] =	ssyncset.done $0x0  }
0xa1: {  	[sflag:s22] =	ssyncadd.s32 s5;
	_ =	sdelay $0x1  }
0xa2: {  	s23 =	simm.s32 $0x1B8B  }
0xa3: {  	_ =	swait.ge [sflag:s23], $0x1  }
0xa4: {  	[sflag:s23] =	ssyncset.done $0x0  }
0xa5: {  	s25 =	simm.s32 $0x1B8E;
	s24 =	sld [smem:$0x3FFE];
	[sflag:s23] =	ssyncadd.s32 $0xFFFFFFFF  }
0xa6: {  	s26 =	simm.s32 $execute0_lowered;
	[smem:$0x3FD2] =	sst s25  }
0xa7: {  	s6 =	sshll.u32 s26, $0x1;
	_ =	strace $0x80000046;
	[dreg:$0x1] =	wrdreg $0xFFFFFFFF  }
0xa8: {  	s28 =	simm.s32 $_size_execute0_lowered;
	s4 =	sadd.s32 s4, s6;
	[dreg:$0x0] =	wrdreg $0x0  }
0xa9: {  	s6 =	sshll.u32 s28, $0x1;
	[dreg:$0x2] =	wrdreg s4  }
0xaa: {  	[dreg:$0x3] =	wrdreg s6  }
0xab: {  	[dreg:$0x4] =	wrdreg $0xC0  }
0xac: {  	_ =	task [dreg:s8], $0x5FFFF  }
0xad: {  	[dreg:$0x1] =	wrdreg $0xFFFFFFFF  }
0xae: {  	[dreg:$0x0] =	wrdreg $0x60  }
0xaf: {  	[dreg:$0x2] =	wrdreg s2  }
0xb0: {  	[dreg:$0x3] =	wrdreg s18  }
0xb1: {  	[dreg:$0x4] =	wrdreg s24  }
0xb2: {  	[dreg:$0x5] =	wrdreg $0x9  }
0xb3: {  	_ =	task.clear_ibuf [dreg:s8], $0x6FFFF;
	_ =	strace $0x90000046  }
0xb4: {  	s29 =	simm.s32 $0x9;
	_ =	strace $0x80000048  }
0xb5: {  	_ =	swait.ge [sflag:s29], $0x1  }
0xb6: {  	[sflag:s29] =	ssyncadd.s32 $0xFFFFFFFF  }
0xb7: {  	_ =	strace $0x90000048  }
0xb8: {  	_ =	sfence  }
0xb9: {  	s30 =	sld [smem:$0x0];
	_ =	sdelay $0x2  }
0xba: {  	s31 =	sshll.u32 s1, $0xD;
	s1 =	sshrl.u32 s1, $0x2  }
0xbb: {  	s3 =	sand.u32 $0x4000, s31;
	s1 =	sadd.s32 s1, s30  }
0xbc: {  	s0 =	sor.u32 s3, s0;
	s1 =	sshll.u32 s1, $0x11  }
0xbd: {  	s0 =	sor.u32 s1, s0  }
0xbe: {  	s0 =	sadd.s32 $0x8F2B, s0  }
0xbf: {  	[sflag:s0] =	ssyncadd.remote.s32 $0x1  }
0xc0: {  	_ =	sfence.sel $0xFFFF  }
0xc1: {  	[dreg:$0x0] =	wrdreg $0xFFFFFFFF;
	(pc) =	sbr.abs _section_cstart, $3  }
0xc2: {  	[dreg:$0x1] =	wrdreg $0xFFFFFFFF  }
0xc3: {  	_ =	task.clear_ibuf [dreg:s8], $0x2FFFF;
	_ =	strace $0x9FFFFFFF  }
0xc4: {  	(tm) =	ssettm $0x7FFFFFFF  }
0xc5: {  	_ =	shalt  }
tec
execute0_lowered:
.L_overlay_start_1:
0x0: {  	(tag) =	ssettag $0x1  }
0x1: {  	s1 =	rddreg [dreg:$0x0]  }
0x2: {  	s2 =	srdreg.scid;
	s3 =	rddreg [dreg:$0x1]  }
0x3: {  	s5 =	rddreg [dreg:$0x2];
	s4 =	sand.u32 $0x1, s2;
	s2 =	simm.s32 $0x0  }
0x4: {  	s24 =	simm.s32 $0x880;
	[smem:$0x7FF] =	sst s2  }
0x5: {  	s25 =	simm.s32 $0x1080;
	_ =	strace $0x80000047;
	[dreg:$0x6] =	wrdreg s24  }
0x6: {  	s0 =	stileid.u32;
	s26 =	simm.s32 $0x1880;
	[dreg:$0x7] =	wrdreg s25  }
0x7: {  	s6 =	sshll.u32 s0, $0x5;
	s0 =	simm.s32 $0x2080;
	[dreg:$0x8] =	wrdreg s26  }
0x8: {  	s8 =	simm.s32 $0x4080;
	[dreg:$0x9] =	wrdreg s0  }
0x9: {  	s9 =	simm.s32 $0x4880;
	[dreg:$0xd] =	wrdreg s8  }
0xa: {  	s10 =	simm.s32 $0x5080;
	[dreg:$0xe] =	wrdreg s9  }
0xb: {  	s11 =	simm.s32 $0x5880;
	[dreg:$0xf] =	wrdreg s10  }
0xc: {  	s12 =	simm.s32 $0x6080;
	[dreg:$0x10] =	wrdreg s11  }
0xd: {  	s13 =	simm.s32 $0x6880;
	[dreg:$0x11] =	wrdreg s12  }
0xe: {  	s14 =	simm.s32 $0x7080;
	[dreg:$0x12] =	wrdreg s13  }
0xf: {  	s15 =	simm.s32 $0x7880;
	[dreg:$0x13] =	wrdreg s14  }
0x10: {  	s16 =	simm.s32 $0x8080;
	[dreg:$0x14] =	wrdreg s15  }
0x11: {  	s17 =	simm.s32 $0x8880;
	s18 =	simm.s32 $0x9080;
	[dreg:$0x15] =	wrdreg s16  }
0x12: {  	s20 =	simm.s32 $0x9880;
	s21 =	simm.s32 $0xA080;
	[dreg:$0x16] =	wrdreg s17  }
0x13: {  	s22 =	simm.s32 $0xA880;
	s23 =	simm.s32 $0xB080;
	[dreg:$0x17] =	wrdreg s18  }
0x14: {  	s28 =	simm.s32 $0x16080;
	s29 =	simm.s32 $0x16880;
	[dreg:$0x18] =	wrdreg s20  }
0x15: {  	s30 =	simm.s32 $0x17080;
	s31 =	simm.s32 $0x17880;
	[dreg:$0x19] =	wrdreg s21  }
0x16: {  	s7 =	sshll.u32 s4, $0x4;
	s4 =	ssub.s32 $0x2, s4;
	[dreg:$0x1a] =	wrdreg s22  }
0x17: {  	s6 =	sor.u32 s7, s6;
	s19 =	sshrl.u32 s4, $0x1;
	[dreg:$0x1b] =	wrdreg s23  }
0x18: {  	s24 =	simm.s32 $0xB880;
	s25 =	simm.s32 $0xC080;
	s8 =	simm.s32 $0x80  }
0x19: {  	s26 =	simm.s32 $0xC880;
	s10 =	simm.s32 $0xD880;
	s11 =	simm.s32 $0xE080  }
0x1a: {  	s12 =	simm.s32 $0xE880;
	s13 =	simm.s32 $0xF080;
	s14 =	simm.s32 $0xF880  }
0x1b: {  	s15 =	simm.s32 $0x10080;
	s16 =	simm.s32 $0x10880;
	s17 =	simm.s32 $0x11080  }
0x1c: {  	s18 =	simm.s32 $0x11880;
	s20 =	simm.s32 $0x12880;
	s21 =	simm.s32 $0x13080  }
0x1d: {  	s22 =	simm.s32 $0x13880;
	s23 =	simm.s32 $0x14080;
	[dreg:$0x1c] =	wrdreg s24  }
0x1e: {  	s7 =	smul.u32 $0x300, s6;
	s3 =	sadd.s32 s3, s6;
	[dreg:$0x1d] =	wrdreg s25  }
0x1f: {  	s6 =	simm.s32 $0x3080;
	[dreg:$0x1e] =	wrdreg s26;
	s24 =	simm.s32 $0x14880  }
0x20: {  	s25 =	simm.s32 $0x15080;
	s26 =	simm.s32 $0x15880;
	[dreg:$0x4] =	wrdreg s3  }
0x21: {  	s3 =	simm.s32 $0x2880;
	[dreg:$0xb] =	wrdreg s6;
	s6 =	ssub.s32 s4, s19  }
0x22: {  	s4 =	sadd.s32 $0x2300, s5;
	s19 =	simm.s32 $0x12080;
	s1 =	sadd.s32 s1, s7  }
0x23: {  	v2 =	vlaneseq.u32;
	[dreg:$0xa] =	wrdreg s3;
	s7 =	simm.s32 $0x3880;
	s3 =	sadd.s32 $0x2200, s5  }
0x24: {  	vm0 =	vmmov $0xffff;
	v1 =	vshrl.u32 v2, $0x3;
	s5 =	sadd.s32 $0x2400, s5;
	s6 =	smax.u32 s6, $0x1;
	[dreg:$0x5] =	wrdreg s1  }
0x25: {  	v0 =	vand.u32 $0x7, v2;
	v2 =	vor.u32 $0x8, v2;
	v1 =	vmul.u32 $0x8, v1;
	[dreg:$0xc] =	wrdreg s7;
	s7 =	simm.s32 $0x2;
	s1 =	simm.s32 $0x1  }
.LBB2_1:
0x26: {  	s0 =	rddreg [dreg:$0x4]  }
0x27: {  	[tilespmem:s2], [sflag:$0x2] =	stream.linear.gather [hbm4b:s0+s2], $0x80, $0x38;
	[tilespmem:$0x18080] =	vst v63  }
0x28: {  	_ =	swait.ge [sflag:s7], $0x80  }
0x29: {  	[sflag:s7] =	ssyncset.done $0x0  }
0x2a: {  	s9 =	rddreg [dreg:$0x5];
	[sflag:s7] =	ssyncadd.s32 $0xFFFFFF80  }
0x2b: {  	[tilespmem:s8], [sflag:$0x2] =	stream.linear.gather [hbm4b:s9+s2], $0x18000, $0x38;
	[tilespmem:$0x18080] =	vst v63  }
0x2c: {  	_ =	swait.ge [sflag:s7], $0x18000  }
0x2d: {  	[sflag:s7] =	ssyncset.done $0x0  }
0x2e: {  	[sflag:s7] =	ssyncadd.s32 $0xFFFE8000  }
0x2f: {  	v3 =	vld [tilespmem:$0x0];
	_ =	sdelay $0x4  }
0x30: {  	v4 =	vshrl.u32 v3, $0x3  }
0x31: {  	v4 =	vmul.u32 $0x30, v4  }
0x32: {  	v3 =	vand.u32 $0x7, v3  }
0x33: {  	v3 =	vor.u32 v3, v4  }
0x34: {  	v4 =	vperm.xlane v3, v0;
	_ =	sdelay $0x1  }
0x35: {  	v4 =	vadd.s32 v1, v4;
	_ =	sdelay $0x3  }
0x36: {  	v3 =	vperm.xlane v3, v2  }
0x37: {  	[hbm4b:s3+s2] =	stream.indirect_vreg.scatter [tilespmem:s8], [sflag:$0x1], $0x80, v4, vm0, $0xb8;
	[tilespmem:$0x18080] =	vst v63  }
0x38: {  	s0 =	rddreg [dreg:$0x6];
	v3 =	vadd.s32 v1, v3  }
0x39: {  	[hbm4b:s4+s2] =	stream.indirect_vreg.scatter [tilespmem:s0], [sflag:$0x1], $0x80, v4, vm0, $0xb8;
	[tilespmem:$0x18080] =	vst v63  }
0x3a: {  	s9 =	rddreg [dreg:$0x7]  }
0x3b: {  	[hbm4b:s5+s2] =	stream.indirect_vreg.scatter [tilespmem:s9], [sflag:$0x1], $0x80, v4, vm0, $0xb8;
	[tilespmem:$0x18080] =	vst v63  }
0x3c: {  	s0 =	rddreg [dreg:$0x8]  }
0x3d: {  	[hbm4b:s3+s2] =	stream.indirect_vreg.scatter [tilespmem:s0], [sflag:$0x1], $0x80, v3, vm0, $0xb8;
	[tilespmem:$0x18080] =	vst v63  }
0x3e: {  	s9 =	rddreg [dreg:$0x9]  }
0x3f: {  	[hbm4b:s4+s2] =	stream.indirect_vreg.scatter [tilespmem:s9], [sflag:$0x1], $0x80, v3, vm0, $0xb8;
	[tilespmem:$0x18080] =	vst v63  }
0x40: {  	s0 =	rddreg [dreg:$0xa]  }
0x41: {  	[hbm4b:s5+s2] =	stream.indirect_vreg.scatter [tilespmem:s0], [sflag:$0x1], $0x80, v3, vm0, $0xb8;
	[tilespmem:$0x18080] =	vst v63  }
0x42: {  	v3 =	vld [tilespmem:$0x10];
	_ =	sdelay $0x4  }
0x43: {  	v57 =	vshrl.u32 v3, $0x3  }
0x44: {  	v4 =	vmul.u32 $0x30, v57  }
0x45: {  	v3 =	vand.u32 $0x7, v3  }
0x46: {  	v3 =	vor.u32 v3, v4  }
0x47: {  	v4 =	vperm.xlane v3, v0;
	_ =	sdelay $0x1  }
0x48: {  	v4 =	vadd.s32 v1, v4;
	_ =	sdelay $0x3  }
0x49: {  	s0 =	rddreg [dreg:$0xb];
	v3 =	vperm.xlane v3, v2  }
0x4a: {  	[hbm4b:s3+s2] =	stream.indirect_vreg.scatter [tilespmem:s0], [sflag:$0x1], $0x80, v4, vm0, $0xb8;
	[tilespmem:$0x18080] =	vst v63  }
0x4b: {  	s9 =	rddreg [dreg:$0xc];
	v3 =	vadd.s32 v1, v3  }
0x4c: {  	[hbm4b:s4+s2] =	stream.indirect_vreg.scatter [tilespmem:s9], [sflag:$0x1], $0x80, v4, vm0, $0xb8;
	[tilespmem:$0x18080] =	vst v63  }
0x4d: {  	s0 =	rddreg [dreg:$0xd]  }
0x4e: {  	[hbm4b:s5+s2] =	stream.indirect_vreg.scatter [tilespmem:s0], [sflag:$0x1], $0x80, v4, vm0, $0xb8;
	[tilespmem:$0x18080] =	vst v63  }
0x4f: {  	s9 =	rddreg [dreg:$0xe]  }
0x50: {  	[hbm4b:s3+s2] =	stream.indirect_vreg.scatter [tilespmem:s9], [sflag:$0x1], $0x80, v3, vm0, $0xb8;
	[tilespmem:$0x18080] =	vst v63  }
0x51: {  	s0 =	rddreg [dreg:$0xf]  }
0x52: {  	[hbm4b:s4+s2] =	stream.indirect_vreg.scatter [tilespmem:s0], [sflag:$0x1], $0x80, v3, vm0, $0xb8;
	[tilespmem:$0x18080] =	vst v63  }
0x53: {  	s9 =	rddreg [dreg:$0x10]  }
0x54: {  	[hbm4b:s5+s2] =	stream.indirect_vreg.scatter [tilespmem:s9], [sflag:$0x1], $0x80, v3, vm0, $0xb8;
	[tilespmem:$0x18080] =	vst v63  }
0x55: {  	v3 =	vld [tilespmem:$0x20];
	_ =	sdelay $0x4  }
0x56: {  	v58 =	vshrl.u32 v3, $0x3  }
0x57: {  	v4 =	vmul.u32 $0x30, v58  }
0x58: {  	v3 =	vand.u32 $0x7, v3  }
0x59: {  	v3 =	vor.u32 v3, v4  }
0x5a: {  	v4 =	vperm.xlane v3, v0;
	_ =	sdelay $0x1  }
0x5b: {  	v4 =	vadd.s32 v1, v4;
	_ =	sdelay $0x3  }
0x5c: {  	s0 =	rddreg [dreg:$0x11];
	v3 =	vperm.xlane v3, v2  }
0x5d: {  	[hbm4b:s3+s2] =	stream.indirect_vreg.scatter [tilespmem:s0], [sflag:$0x1], $0x80, v4, vm0, $0xb8;
	[tilespmem:$0x18080] =	vst v63  }
0x5e: {  	s9 =	rddreg [dreg:$0x12];
	v3 =	vadd.s32 v1, v3  }
0x5f: {  	[hbm4b:s4+s2] =	stream.indirect_vreg.scatter [tilespmem:s9], [sflag:$0x1], $0x80, v4, vm0, $0xb8;
	[tilespmem:$0x18080] =	vst v63  }
0x60: {  	s0 =	rddreg [dreg:$0x13]  }
0x61: {  	[hbm4b:s5+s2] =	stream.indirect_vreg.scatter [tilespmem:s0], [sflag:$0x1], $0x80, v4, vm0, $0xb8;
	[tilespmem:$0x18080] =	vst v63  }
0x62: {  	s9 =	rddreg [dreg:$0x14]  }
0x63: {  	[hbm4b:s3+s2] =	stream.indirect_vreg.scatter [tilespmem:s9], [sflag:$0x1], $0x80, v3, vm0, $0xb8;
	[tilespmem:$0x18080] =	vst v63  }
0x64: {  	s0 =	rddreg [dreg:$0x15]  }
0x65: {  	[hbm4b:s4+s2] =	stream.indirect_vreg.scatter [tilespmem:s0], [sflag:$0x1], $0x80, v3, vm0, $0xb8;
	[tilespmem:$0x18080] =	vst v63  }
0x66: {  	s9 =	rddreg [dreg:$0x16]  }
0x67: {  	[hbm4b:s5+s2] =	stream.indirect_vreg.scatter [tilespmem:s9], [sflag:$0x1], $0x80, v3, vm0, $0xb8;
	[tilespmem:$0x18080] =	vst v63  }
0x68: {  	v3 =	vld [tilespmem:$0x30];
	_ =	sdelay $0x4  }
0x69: {  	v59 =	vshrl.u32 v3, $0x3  }
0x6a: {  	v4 =	vmul.u32 $0x30, v59  }
0x6b: {  	v3 =	vand.u32 $0x7, v3  }
0x6c: {  	v3 =	vor.u32 v3, v4  }
0x6d: {  	v4 =	vperm.xlane v3, v0;
	_ =	sdelay $0x1  }
0x6e: {  	v4 =	vadd.s32 v1, v4;
	_ =	sdelay $0x3  }
0x6f: {  	s0 =	rddreg [dreg:$0x17];
	v3 =	vperm.xlane v3, v2  }
0x70: {  	[hbm4b:s3+s2] =	stream.indirect_vreg.scatter [tilespmem:s0], [sflag:$0x1], $0x80, v4, vm0, $0xb8;
	[tilespmem:$0x18080] =	vst v63  }
0x71: {  	s9 =	rddreg [dreg:$0x18];
	v3 =	vadd.s32 v1, v3  }
0x72: {  	[hbm4b:s4+s2] =	stream.indirect_vreg.scatter [tilespmem:s9], [sflag:$0x1], $0x80, v4, vm0, $0xb8;
	[tilespmem:$0x18080] =	vst v63  }
0x73: {  	s0 =	rddreg [dreg:$0x19]  }
0x74: {  	[hbm4b:s5+s2] =	stream.indirect_vreg.scatter [tilespmem:s0], [sflag:$0x1], $0x80, v4, vm0, $0xb8;
	[tilespmem:$0x18080] =	vst v63  }
0x75: {  	s9 =	rddreg [dreg:$0x1a]  }
0x76: {  	[hbm4b:s3+s2] =	stream.indirect_vreg.scatter [tilespmem:s9], [sflag:$0x1], $0x80, v3, vm0, $0xb8;
	[tilespmem:$0x18080] =	vst v63  }
0x77: {  	s0 =	rddreg [dreg:$0x1b]  }
0x78: {  	[hbm4b:s4+s2] =	stream.indirect_vreg.scatter [tilespmem:s0], [sflag:$0x1], $0x80, v3, vm0, $0xb8;
	[tilespmem:$0x18080] =	vst v63  }
0x79: {  	s9 =	rddreg [dreg:$0x1c]  }
0x7a: {  	[hbm4b:s5+s2] =	stream.indirect_vreg.scatter [tilespmem:s9], [sflag:$0x1], $0x80, v3, vm0, $0xb8;
	[tilespmem:$0x18080] =	vst v63  }
0x7b: {  	v3 =	vld [tilespmem:$0x40];
	_ =	sdelay $0x4  }
0x7c: {  	v60 =	vshrl.u32 v3, $0x3  }
0x7d: {  	v4 =	vmul.u32 $0x30, v60  }
0x7e: {  	v3 =	vand.u32 $0x7, v3  }
0x7f: {  	v3 =	vor.u32 v3, v4  }
0x80: {  	v4 =	vperm.xlane v3, v0;
	_ =	sdelay $0x1  }
0x81: {  	v4 =	vadd.s32 v1, v4;
	_ =	sdelay $0x3  }
0x82: {  	s0 =	rddreg [dreg:$0x1d];
	v3 =	vperm.xlane v3, v2  }
0x83: {  	[hbm4b:s3+s2] =	stream.indirect_vreg.scatter [tilespmem:s0], [sflag:$0x1], $0x80, v4, vm0, $0xb8;
	[tilespmem:$0x18080] =	vst v63  }
0x84: {  	s9 =	rddreg [dreg:$0x1e];
	v3 =	vadd.s32 v1, v3  }
0x85: {  	[hbm4b:s4+s2] =	stream.indirect_vreg.scatter [tilespmem:s9], [sflag:$0x1], $0x80, v4, vm0, $0xb8;
	[tilespmem:$0x18080] =	vst v63  }
0x86: {  	s9 =	simm.s32 $0xD080  }
0x87: {  	[hbm4b:s5+s2] =	stream.indirect_vreg.scatter [tilespmem:s9], [sflag:$0x1], $0x80, v4, vm0, $0xb8;
	[tilespmem:$0x18080] =	vst v63  }
0x88: {  	_ = 	snop  }
0x89: {  	[hbm4b:s3+s2] =	stream.indirect_vreg.scatter [tilespmem:s10], [sflag:$0x1], $0x80, v3, vm0, $0xb8;
	[tilespmem:$0x18080] =	vst v63  }
0x8a: {  	_ = 	snop  }
0x8b: {  	[hbm4b:s4+s2] =	stream.indirect_vreg.scatter [tilespmem:s11], [sflag:$0x1], $0x80, v3, vm0, $0xb8;
	[tilespmem:$0x18080] =	vst v63  }
0x8c: {  	_ = 	snop  }
0x8d: {  	[hbm4b:s5+s2] =	stream.indirect_vreg.scatter [tilespmem:s12], [sflag:$0x1], $0x80, v3, vm0, $0xb8;
	[tilespmem:$0x18080] =	vst v63  }
0x8e: {  	v3 =	vld [tilespmem:$0x50];
	_ =	sdelay $0x4  }
0x8f: {  	v61 =	vshrl.u32 v3, $0x3  }
0x90: {  	v4 =	vmul.u32 $0x30, v61  }
0x91: {  	v3 =	vand.u32 $0x7, v3  }
0x92: {  	v3 =	vor.u32 v3, v4  }
0x93: {  	v4 =	vperm.xlane v3, v0;
	_ =	sdelay $0x1  }
0x94: {  	v4 =	vadd.s32 v1, v4;
	_ =	sdelay $0x3  }
0x95: {  	v3 =	vperm.xlane v3, v2  }
0x96: {  	[hbm4b:s3+s2] =	stream.indirect_vreg.scatter [tilespmem:s13], [sflag:$0x1], $0x80, v4, vm0, $0xb8;
	[tilespmem:$0x18080] =	vst v63  }
0x97: {  	v3 =	vadd.s32 v1, v3  }
0x98: {  	[hbm4b:s4+s2] =	stream.indirect_vreg.scatter [tilespmem:s14], [sflag:$0x1], $0x80, v4, vm0, $0xb8;
	[tilespmem:$0x18080] =	vst v63  }
0x99: {  	_ = 	snop  }
0x9a: {  	[hbm4b:s5+s2] =	stream.indirect_vreg.scatter [tilespmem:s15], [sflag:$0x1], $0x80, v4, vm0, $0xb8;
	[tilespmem:$0x18080] =	vst v63  }
0x9b: {  	_ = 	snop  }
0x9c: {  	[hbm4b:s3+s2] =	stream.indirect_vreg.scatter [tilespmem:s16], [sflag:$0x1], $0x80, v3, vm0, $0xb8;
	[tilespmem:$0x18080] =	vst v63  }
0x9d: {  	_ = 	snop  }
0x9e: {  	[hbm4b:s4+s2] =	stream.indirect_vreg.scatter [tilespmem:s17], [sflag:$0x1], $0x80, v3, vm0, $0xb8;
	[tilespmem:$0x18080] =	vst v63  }
0x9f: {  	_ = 	snop  }
0xa0: {  	[hbm4b:s5+s2] =	stream.indirect_vreg.scatter [tilespmem:s18], [sflag:$0x1], $0x80, v3, vm0, $0xb8;
	[tilespmem:$0x18080] =	vst v63  }
0xa1: {  	v3 =	vld [tilespmem:$0x60];
	_ =	sdelay $0x4  }
0xa2: {  	v62 =	vshrl.u32 v3, $0x3  }
0xa3: {  	v4 =	vmul.u32 $0x30, v62  }
0xa4: {  	v3 =	vand.u32 $0x7, v3  }
0xa5: {  	v3 =	vor.u32 v3, v4  }
0xa6: {  	v4 =	vperm.xlane v3, v0;
	_ =	sdelay $0x1  }
0xa7: {  	v4 =	vadd.s32 v1, v4;
	_ =	sdelay $0x3  }
0xa8: {  	v3 =	vperm.xlane v3, v2  }
0xa9: {  	[hbm4b:s3+s2] =	stream.indirect_vreg.scatter [tilespmem:s19], [sflag:$0x1], $0x80, v4, vm0, $0xb8;
	[tilespmem:$0x18080] =	vst v63  }
0xaa: {  	v3 =	vadd.s32 v1, v3  }
0xab: {  	[hbm4b:s4+s2] =	stream.indirect_vreg.scatter [tilespmem:s20], [sflag:$0x1], $0x80, v4, vm0, $0xb8;
	[tilespmem:$0x18080] =	vst v63  }
0xac: {  	_ = 	snop  }
0xad: {  	[hbm4b:s5+s2] =	stream.indirect_vreg.scatter [tilespmem:s21], [sflag:$0x1], $0x80, v4, vm0, $0xb8;
	[tilespmem:$0x18080] =	vst v63  }
0xae: {  	_ = 	snop  }
0xaf: {  	[hbm4b:s3+s2] =	stream.indirect_vreg.scatter [tilespmem:s22], [sflag:$0x1], $0x80, v3, vm0, $0xb8;
	[tilespmem:$0x18080] =	vst v63  }
0xb0: {  	_ = 	snop  }
0xb1: {  	[hbm4b:s4+s2] =	stream.indirect_vreg.scatter [tilespmem:s23], [sflag:$0x1], $0x80, v3, vm0, $0xb8;
	[tilespmem:$0x18080] =	vst v63  }
0xb2: {  	_ = 	snop  }
0xb3: {  	[hbm4b:s5+s2] =	stream.indirect_vreg.scatter [tilespmem:s24], [sflag:$0x1], $0x80, v3, vm0, $0xb8;
	[tilespmem:$0x18080] =	vst v63  }
0xb4: {  	v3 =	vld [tilespmem:$0x70];
	_ =	sdelay $0x4  }
0xb5: {  	v63 =	vshrl.u32 v3, $0x3  }
0xb6: {  	v4 =	vmul.u32 $0x30, v63  }
0xb7: {  	v3 =	vand.u32 $0x7, v3  }
0xb8: {  	v3 =	vor.u32 v3, v4  }
0xb9: {  	v4 =	vperm.xlane v3, v0;
	_ =	sdelay $0x1  }
0xba: {  	v4 =	vadd.s32 v1, v4;
	_ =	sdelay $0x3  }
0xbb: {  	v3 =	vperm.xlane v3, v2  }
0xbc: {  	[hbm4b:s3+s2] =	stream.indirect_vreg.scatter [tilespmem:s25], [sflag:$0x1], $0x80, v4, vm0, $0xb8;
	[tilespmem:$0x18080] =	vst v63  }
0xbd: {  	v3 =	vadd.s32 v1, v3  }
0xbe: {  	[hbm4b:s4+s2] =	stream.indirect_vreg.scatter [tilespmem:s26], [sflag:$0x1], $0x80, v4, vm0, $0xb8;
	[tilespmem:$0x18080] =	vst v63  }
0xbf: {  	_ = 	snop  }
0xc0: {  	[hbm4b:s5+s2] =	stream.indirect_vreg.scatter [tilespmem:s28], [sflag:$0x1], $0x80, v4, vm0, $0xb8;
	[tilespmem:$0x18080] =	vst v63  }
0xc1: {  	_ = 	snop  }
0xc2: {  	[hbm4b:s3+s2] =	stream.indirect_vreg.scatter [tilespmem:s29], [sflag:$0x1], $0x80, v3, vm0, $0xb8;
	[tilespmem:$0x18080] =	vst v63  }
0xc3: {  	p0 =	sne.s32 s6, $0x1  }
0xc4: {  	[hbm4b:s4+s2] =	stream.indirect_vreg.scatter [tilespmem:s30], [sflag:$0x1], $0x80, v3, vm0, $0xb8;
	[tilespmem:$0x18080] =	vst v63  }
.Ltmp0:
0xc5: {  	_ = 	snop;
	(pc) =	sbr.rel @p0 .LBB2_1-.Ltmp0, $4  }
0xc6: {  	[hbm4b:s5+s2] =	stream.indirect_vreg.scatter [tilespmem:s31], [sflag:$0x1], $0x80, v3, vm0, $0xb8;
	[tilespmem:$0x18080] =	vst v63  }
0xc7: {  	_ =	swait.ge [sflag:s1], $0x18000  }
0xc8: {  	[sflag:s1] =	ssyncset.done $0x0  }
0xc9: {  	s6 =	sadd.s32 $0xFFFFFFFF, s6;
	[sflag:s1] =	ssyncadd.s32 $0xFFFE8000  }
0xca: {  	_ =	sfence.sel $0x180000  }
0xcb: {  	[bflag:$0x0] =	sbarrier.arrive $0xFFFF  }
0xcc: {  	_ =	strace $0x90000047  }
0xcd: {  	s0 =	stileid.u32;
	[bflag:$0x2] =	sbarrier.arrive $0xFFFF  }
0xce: {  	p0 =	sne.s32 s0, $0x0;
	s0 =	rddreg [dreg:$0x3]  }
0xcf: {  	s0 =	sadd.s32 @!p0 $0x100000, s0  }
0xd0: {  	[sflag:s0] =	ssyncadd.tile.s32 @!p0 $0x1;
	_ =	shalt  }
.Lfunc_end2:
_tile_overlayer_lowered:
.L_overlay_start_2:
0xd1: {  	(tag) =	ssettag $0x2  }
0xd2: {  	s0 =	rddreg [dreg:$0x0];
	s2 =	stileid.u32  }
0xd3: {  	s1 =	rddreg [dreg:$0x1];
	p0 =	sne.s32 s2, $0x0  }
0xd4: {  	s3 =	rddreg [dreg:$0x2];
	[bflag:$0x3] =	sbarrier.arrive $0xFFFF;
	s2 =	simm.s32 @!p0 $0x1C02  }
0xd5: {  	[timem:s3], [sflag:s2] =	dma.local @!p0 [hbm:s0], s1  }
0xd6: {  	s0 =	simm.s32 @!p0 $0x2  }
0xd7: {  	_ =	swait.ge @!p0 [sflag:s0], s1  }
0xd8: {  	s1 =	ssub.s32 @!p0 $0x0, s1;
	[sflag:s0] =	ssyncset.done @!p0 $0x0  }
0xd9: {  	[sflag:s0] =	ssyncadd.s32 @!p0 s1  }
0xda: {  	[bflag:$0x3] =	sbarrier.arrive $0xFFFF  }
0xdb: {  	_ =	shalt  }

</sc_bundles>
